<compile_context>
chip_gen: v7x
topology: tpu7x:2x2x1
jax: 0.10.2.dev20260603
libtpu: 0.0.44.dev20260713+nightly
codegen_flags: <defaults>
</compile_context>

<pallas_src>
import functools

import jax
import jax.numpy as jnp
from jax import lax
from jax.experimental import pallas as pl
from jax.experimental.pallas import tpu as pltpu
from jax.experimental.pallas import tpu_sc as plsc

_NUM_CODES = 100000
_NUM_CLUSTERS = 1000
_NUM_PARENTS = 50
_SUB = 32
_BATCH, _HIST = 4096, 200
_N = _BATCH * _HIST
_C = 128
_NCHUNKS = _N // _C


@functools.lru_cache(maxsize=None)
def _build():
    info = plsc.get_sparse_core_info()
    nc, ns = info.num_cores, info.num_subcores
    nw = nc * ns
    chunks_w = _NCHUNKS // nw
    nbuf = 4
    kbatch = 8

    mesh = plsc.VectorSubcoreMesh(core_axis_name="c", subcore_axis_name="s")

    @functools.partial(
        pl.kernel,
        out_type=jax.ShapeDtypeStruct((_N, 4 * _SUB), jnp.float32),
        mesh=mesh,
        compiler_params=pltpu.CompilerParams(use_tc_tiling_on_sc=False),
        scratch_types=[
            pltpu.VMEM((chunks_w, _C), jnp.int32),
            pltpu.VMEM((chunks_w, _C), jnp.int32),
            pltpu.VMEM((nbuf, _C, _SUB), jnp.float32),
            pltpu.VMEM((nbuf, _C, 2 * _SUB), jnp.float32),
            pltpu.SemaphoreType.DMA,
            [pltpu.SemaphoreType.DMA] * nbuf,
            [pltpu.SemaphoreType.DMA] * nbuf,
        ],
    )
    def enc(codes2_hbm, m_hbm, cemb_hbm, clp_hbm,
            out_hbm, codes_v, cpid_v, crow_v, cprow_v,
            gsem, rsems, wsems):
        wid = lax.axis_index("s") * nc + lax.axis_index("c")
        g0 = wid * chunks_w

        with jax.named_scope("p1_codes"):
            pltpu.sync_copy(codes2_hbm.at[pl.ds(g0, chunks_w), :], codes_v)

        def id_drain():
            for _ in range(kbatch):
                pltpu.make_async_copy(
                    m_hbm.at[codes_v.at[0]], cpid_v.at[0], gsem).wait()

        def id_batch(t, carry):
            for b in range(kbatch):
                g = t * kbatch + b
                pltpu.async_copy(m_hbm.at[codes_v.at[g]], cpid_v.at[g], gsem)
            @pl.when(t != 0)
            def _():
                id_drain()
            return carry
        with jax.named_scope("p2_ids"):
            lax.fori_loop(0, chunks_w // kbatch, id_batch, 0)
            id_drain()

        def out_band(base, k):
            return out_hbm.at[pl.ds(base, _C), pl.ds(k * _SUB, _SUB)]

        def out_band2(base):
            return out_hbm.at[pl.ds(base, _C), pl.ds(_SUB, 2 * _SUB)]

        def wait_writes(b):
            pltpu.make_async_copy(crow_v.at[b], out_band(0, 0), wsems[b]).wait()
            pltpu.make_async_copy(cprow_v.at[b], out_band2(0), wsems[b]).wait()

        def row_batch(t, carry):
            gds = []
            for b in range(nbuf):
                g = t * nbuf + b
                @pl.when(t != 0)
                def _(b=b):
                    wait_writes(b)
                gds.append(pltpu.async_copy(
                    cemb_hbm.at[codes_v.at[g]], crow_v.at[b], rsems[b]))
                gds.append(pltpu.async_copy(
                    clp_hbm.at[cpid_v.at[g]], cprow_v.at[b], rsems[b]))
            for b in range(nbuf):
                g = t * nbuf + b
                base = (g0 + g) * _C
                gds[2 * b].wait()
                pltpu.async_copy(crow_v.at[b], out_band(base, 0), wsems[b])
                gds[2 * b + 1].wait()
                pltpu.async_copy(cprow_v.at[b], out_band2(base), wsems[b])
            return carry
        with jax.named_scope("p3_rows"):
            lax.fori_loop(0, chunks_w // nbuf, row_batch, 0)
            for b in range(nbuf):
                wait_writes(b)

    return enc


def kernel(codes, code_to_cluster, code_to_parent, code_emb, cluster_emb,
           parent_emb):
    codes2 = codes.reshape(_NCHUNKS, _C)
    m = code_to_cluster * _NUM_PARENTS + code_to_parent
    clp = jnp.concatenate([
        jnp.broadcast_to(cluster_emb[:, None, :],
                         (_NUM_CLUSTERS, _NUM_PARENTS, _SUB)),
        jnp.broadcast_to(parent_emb[None, :, :],
                         (_NUM_CLUSTERS, _NUM_PARENTS, _SUB)),
    ], axis=-1).reshape(_NUM_CLUSTERS * _NUM_PARENTS, 2 * _SUB)
    out = _build()(codes2, m, code_emb, clp)
    return out.reshape(_BATCH, _HIST, 4 * _SUB)[:, :, :3 * _SUB]

# --- scband reference (transcript-rebuilt; emitter-appended) ---
"""Pipeline reference for scband-hierarchical-categorical-encoder-74345883894135 (READ-ONLY COPY).

The authoritative reference and input builder live on the scoring server;
editing this copy changes nothing except your own understanding.
"""

import jax, jax.numpy as jnp
import numpy as np

NUM_CODES = 100000
NUM_CLUSTERS = 1000
NUM_PARENTS = 50
EMBED_DIM = 96
SUB = EMBED_DIM // 3          # 32
REM = EMBED_DIM - 2 * SUB     # 32
BATCH, HIST = 4096, 200


def setup_inputs(seed: int = 0) -> dict:
    key = jax.random.key(seed)
    ks = jax.random.split(key, 6)
    codes = jax.random.randint(ks[0], (BATCH, HIST), 0, NUM_CODES, dtype=jnp.int32)
    code_to_cluster = jax.random.randint(ks[1], (NUM_CODES,), 0, NUM_CLUSTERS, dtype=jnp.int32)
    code_to_parent = jax.random.randint(ks[2], (NUM_CODES,), 0, NUM_PARENTS, dtype=jnp.int32)
    # embedding tables; row 0 zeroed to mimic padding_idx=0 initialization
    code_emb = (jax.random.normal(ks[3], (NUM_CODES, SUB), dtype=jnp.float32) * 0.02).at[0].set(0.0)
    cluster_emb = (jax.random.normal(ks[4], (NUM_CLUSTERS, SUB), dtype=jnp.float32) * 0.02).at[0].set(0.0)
    parent_emb = (jax.random.normal(ks[5], (NUM_PARENTS, REM), dtype=jnp.float32) * 0.02).at[0].set(0.0)
    return {
        'codes': codes,
        'code_to_cluster': code_to_cluster,
        'code_to_parent': code_to_parent,
        'code_emb': code_emb,
        'cluster_emb': cluster_emb,
        'parent_emb': parent_emb,
    }


def reference(codes, code_to_cluster, code_to_parent, code_emb, cluster_emb, parent_emb):
    # e_code = code_emb(codes)
    e_code = jnp.take(code_emb, codes, axis=0)
    # clusters = code_to_cluster[codes]; e_cluster = cluster_emb(clusters)
    clusters = jnp.take(code_to_cluster, codes, axis=0)
    e_cluster = jnp.take(cluster_emb, clusters, axis=0)
    # parents = code_to_parent[codes]; e_parent = parent_emb(parents)
    parents = jnp.take(code_to_parent, codes, axis=0)
    e_parent = jnp.take(parent_emb, parents, axis=0)
    return jnp.concatenate([e_code, e_cluster, e_parent], axis=-1)

if __name__ == "__main__":
    import jax
    _d = setup_inputs()
    print(jax.jit(kernel)(*tuple(_d.values())))

</pallas_src>

<mosaic_0001>
#map = affine_map<(d0, d1) -> (0, 0)>
#map1 = affine_map<(d0, d1) -> (0)>
module attributes {stable_mosaic.version = 14 : i64} {
  func.func @enc(%arg0: i32, %arg1: i32, %arg2: memref<6400x128xi32, #tpu.memory_space<hbm>>, %arg3: memref<100000xi32, #tpu.memory_space<hbm>>, %arg4: memref<100000x32xf32, #tpu.memory_space<hbm>>, %arg5: memref<50000x64xf32, #tpu.memory_space<hbm>>, %arg6: memref<819200x128xf32, #tpu.memory_space<hbm>>, %arg7: memref<200x128xi32, #tpu.memory_space<vmem>>, %arg8: memref<200x128xi32, #tpu.memory_space<vmem>>, %arg9: memref<4x128x32xf32, #tpu.memory_space<vmem>>, %arg10: memref<4x128x64xf32, #tpu.memory_space<vmem>>, %arg11: memref<!tpu.dma_semaphore, #tpu.memory_space<semaphore_mem>>, %arg12: memref<!tpu.dma_semaphore, #tpu.memory_space<semaphore_mem>>, %arg13: memref<!tpu.dma_semaphore, #tpu.memory_space<semaphore_mem>>, %arg14: memref<!tpu.dma_semaphore, #tpu.memory_space<semaphore_mem>>, %arg15: memref<!tpu.dma_semaphore, #tpu.memory_space<semaphore_mem>>, %arg16: memref<!tpu.dma_semaphore, #tpu.memory_space<semaphore_mem>>, %arg17: memref<!tpu.dma_semaphore, #tpu.memory_space<semaphore_mem>>, %arg18: memref<!tpu.dma_semaphore, #tpu.memory_space<semaphore_mem>>, %arg19: memref<!tpu.dma_semaphore, #tpu.memory_space<semaphore_mem>>) attributes {dimension_semantics = [#tpu.dimension_semantics<core_parallel>, #tpu.dimension_semantics<subcore_parallel>], iteration_bounds = array<i64: 2, 16>, scalar_prefetch = 0 : i64, scratch_operands = 13 : i64, tpu.core_type = #tpu.core_type<sc_vector_subcore>, window_params = [{transform_indices = #map}, {transform_indices = #map1}, {transform_indices = #map}, {transform_indices = #map}, {transform_indices = #map}]} {
    %mul3A = arith.constant 2 : i32
    %mul3A_0 = arith.muli %arg1, %mul3A : i32
    %add3A = arith.addi %mul3A_0, %arg0 : i32
    %mul3A_1 = arith.constant 200 : i32
    %mul3A_2 = arith.muli %add3A, %mul3A_1 : i32
    "tpu.trace_start"() <{level = 10 : i32, message = "p1_codes"}> : () -> ()
    "tpu.region"() ({
      %run_scoped3A = tpu.sem_alloc : memref<!tpu.dma_semaphore, #tpu.memory_space<semaphore_mem>>
      %dma_start3A = arith.constant 0 : i32
      %dma_start3A_213 = tpu.memref_slice %arg2[%mul3A_2, %dma_start3A] : memref<6400x128xi32, #tpu.memory_space<hbm>> -> memref<200x128xi32, #tpu.memory_space<hbm>>
      %dma_start3A_214 = arith.constant 0 : i32
      %dma_start3A_215 = tpu.memref_slice %arg2[%mul3A_2, %dma_start3A_214] : memref<6400x128xi32, #tpu.memory_space<hbm>> -> memref<200x128xi32, #tpu.memory_space<hbm>>
      tpu.enqueue_dma source(%dma_start3A_215 : memref<200x128xi32, #tpu.memory_space<hbm>>) target(%arg7 : memref<200x128xi32, #tpu.memory_space<vmem>>) target_semaphore(%run_scoped3A : memref<!tpu.dma_semaphore, #tpu.memory_space<semaphore_mem>>)
      %dma_wait3A_216 = arith.constant 0 : i32
      %dma_wait3A_217 = tpu.memref_slice %arg2[%mul3A_2, %dma_wait3A_216] : memref<6400x128xi32, #tpu.memory_space<hbm>> -> memref<200x128xi32, #tpu.memory_space<hbm>>
      %dma_wait3A_218 = arith.constant 0 : i32
      %dma_wait3A_219 = tpu.memref_slice %arg2[%mul3A_2, %dma_wait3A_218] : memref<6400x128xi32, #tpu.memory_space<hbm>> -> memref<200x128xi32, #tpu.memory_space<hbm>>
      tpu.wait_dma2 semaphore(%run_scoped3A : memref<!tpu.dma_semaphore, #tpu.memory_space<semaphore_mem>>) src(%dma_wait3A_219 : memref<200x128xi32, #tpu.memory_space<hbm>>) dst(%arg7 : memref<200x128xi32, #tpu.memory_space<vmem>>)
      tpu.yield
    }) : () -> ()
    "tpu.trace_stop"() : () -> ()
    "tpu.trace_start"() <{level = 10 : i32, message = "p2_ids"}> : () -> ()
    %scan3A = arith.constant 0 : i32
    %scan3A_3 = arith.constant 0 : i32
    %scan3A_4 = arith.constant 25 : i32
    %scan3A_5 = arith.addi %scan3A_3, %scan3A_4 : i32
    %scan3A_6 = arith.constant 1 : i32
    scf.for %scan3A_213 = %scan3A_3 to %scan3A_5 step %scan3A_6  : i32 {
      %mul3A_214 = arith.constant 8 : i32
      %mul3A_215 = arith.muli %scan3A_213, %mul3A_214 : i32
      %add3A_216 = arith.constant 0 : i32
      %add3A_217 = arith.addi %mul3A_215, %add3A_216 : i32
      %dma_start3A = arith.constant 0 : i32
      %dma_start3A_218 = tpu.memref_slice %arg8[%add3A_217, %dma_start3A] : memref<200x128xi32, #tpu.memory_space<vmem>> -> memref<1x128xi32, #tpu.memory_space<vmem>>
      %dma_start3A_219 = tpu.memref_squeeze %dma_start3A_218 : memref<1x128xi32, #tpu.memory_space<vmem>> -> memref<128xi32, #tpu.memory_space<vmem>>
      %dma_start3A_220 = arith.constant 0 : i32
      %dma_start3A_221 = tpu.memref_slice %arg7[%add3A_217, %dma_start3A_220] : memref<200x128xi32, #tpu.memory_space<vmem>> -> memref<1x128xi32, #tpu.memory_space<vmem>>
      %dma_start3A_222 = tpu.memref_squeeze %dma_start3A_221 : memref<1x128xi32, #tpu.memory_space<vmem>> -> memref<128xi32, #tpu.memory_space<vmem>>
      %dma_start3A_223 = arith.constant 0 : i32
      %dma_start3A_224 = tpu.memref_slice %arg3[%dma_start3A_223] : memref<100000xi32, #tpu.memory_space<hbm>> -> memref<100000xi32, #tpu.memory_space<hbm>>
      tpu.enqueue_indirect_dma source(%dma_start3A_224 : memref<100000xi32, #tpu.memory_space<hbm>>) target(%dma_start3A_219 : memref<128xi32, #tpu.memory_space<vmem>>) offsets(%dma_start3A_222 : memref<128xi32, #tpu.memory_space<vmem>>) semaphore(%arg11 : memref<!tpu.dma_semaphore, #tpu.memory_space<semaphore_mem>>)
      %mul3A_225 = arith.constant 8 : i32
      %mul3A_226 = arith.muli %scan3A_213, %mul3A_225 : i32
      %add3A_227 = arith.constant 1 : i32
      %add3A_228 = arith.addi %mul3A_226, %add3A_227 : i32
      %dma_start3A_229 = arith.constant 0 : i32
      %dma_start3A_230 = tpu.memref_slice %arg8[%add3A_228, %dma_start3A_229] : memref<200x128xi32, #tpu.memory_space<vmem>> -> memref<1x128xi32, #tpu.memory_space<vmem>>
      %dma_start3A_231 = tpu.memref_squeeze %dma_start3A_230 : memref<1x128xi32, #tpu.memory_space<vmem>> -> memref<128xi32, #tpu.memory_space<vmem>>
      %dma_start3A_232 = arith.constant 0 : i32
      %dma_start3A_233 = tpu.memref_slice %arg7[%add3A_228, %dma_start3A_232] : memref<200x128xi32, #tpu.memory_space<vmem>> -> memref<1x128xi32, #tpu.memory_space<vmem>>
      %dma_start3A_234 = tpu.memref_squeeze %dma_start3A_233 : memref<1x128xi32, #tpu.memory_space<vmem>> -> memref<128xi32, #tpu.memory_space<vmem>>
      %dma_start3A_235 = arith.constant 0 : i32
      %dma_start3A_236 = tpu.memref_slice %arg3[%dma_start3A_235] : memref<100000xi32, #tpu.memory_space<hbm>> -> memref<100000xi32, #tpu.memory_space<hbm>>
      tpu.enqueue_indirect_dma source(%dma_start3A_236 : memref<100000xi32, #tpu.memory_space<hbm>>) target(%dma_start3A_231 : memref<128xi32, #tpu.memory_space<vmem>>) offsets(%dma_start3A_234 : memref<128xi32, #tpu.memory_space<vmem>>) semaphore(%arg11 : memref<!tpu.dma_semaphore, #tpu.memory_space<semaphore_mem>>)
      %mul3A_237 = arith.constant 8 : i32
      %mul3A_238 = arith.muli %scan3A_213, %mul3A_237 : i32
      %add3A_239 = arith.constant 2 : i32
      %add3A_240 = arith.addi %mul3A_238, %add3A_239 : i32
      %dma_start3A_241 = arith.constant 0 : i32
      %dma_start3A_242 = tpu.memref_slice %arg8[%add3A_240, %dma_start3A_241] : memref<200x128xi32, #tpu.memory_space<vmem>> -> memref<1x128xi32, #tpu.memory_space<vmem>>
      %dma_start3A_243 = tpu.memref_squeeze %dma_start3A_242 : memref<1x128xi32, #tpu.memory_space<vmem>> -> memref<128xi32, #tpu.memory_space<vmem>>
      %dma_start3A_244 = arith.constant 0 : i32
      %dma_start3A_245 = tpu.memref_slice %arg7[%add3A_240, %dma_start3A_244] : memref<200x128xi32, #tpu.memory_space<vmem>> -> memref<1x128xi32, #tpu.memory_space<vmem>>
      %dma_start3A_246 = tpu.memref_squeeze %dma_start3A_245 : memref<1x128xi32, #tpu.memory_space<vmem>> -> memref<128xi32, #tpu.memory_space<vmem>>
      %dma_start3A_247 = arith.constant 0 : i32
      %dma_start3A_248 = tpu.memref_slice %arg3[%dma_start3A_247] : memref<100000xi32, #tpu.memory_space<hbm>> -> memref<100000xi32, #tpu.memory_space<hbm>>
      tpu.enqueue_indirect_dma source(%dma_start3A_248 : memref<100000xi32, #tpu.memory_space<hbm>>) target(%dma_start3A_243 : memref<128xi32, #tpu.memory_space<vmem>>) offsets(%dma_start3A_246 : memref<128xi32, #tpu.memory_space<vmem>>) semaphore(%arg11 : memref<!tpu.dma_semaphore, #tpu.memory_space<semaphore_mem>>)
      %mul3A_249 = arith.constant 8 : i32
      %mul3A_250 = arith.muli %scan3A_213, %mul3A_249 : i32
      %add3A_251 = arith.constant 3 : i32
      %add3A_252 = arith.addi %mul3A_250, %add3A_251 : i32
      %dma_start3A_253 = arith.constant 0 : i32
      %dma_start3A_254 = tpu.memref_slice %arg8[%add3A_252, %dma_start3A_253] : memref<200x128xi32, #tpu.memory_space<vmem>> -> memref<1x128xi32, #tpu.memory_space<vmem>>
      %dma_start3A_255 = tpu.memref_squeeze %dma_start3A_254 : memref<1x128xi32, #tpu.memory_space<vmem>> -> memref<128xi32, #tpu.memory_space<vmem>>
      %dma_start3A_256 = arith.constant 0 : i32
      %dma_start3A_257 = tpu.memref_slice %arg7[%add3A_252, %dma_start3A_256] : memref<200x128xi32, #tpu.memory_space<vmem>> -> memref<1x128xi32, #tpu.memory_space<vmem>>
      %dma_start3A_258 = tpu.memref_squeeze %dma_start3A_257 : memref<1x128xi32, #tpu.memory_space<vmem>> -> memref<128xi32, #tpu.memory_space<vmem>>
      %dma_start3A_259 = arith.constant 0 : i32
      %dma_start3A_260 = tpu.memref_slice %arg3[%dma_start3A_259] : memref<100000xi32, #tpu.memory_space<hbm>> -> memref<100000xi32, #tpu.memory_space<hbm>>
      tpu.enqueue_indirect_dma source(%dma_start3A_260 : memref<100000xi32, #tpu.memory_space<hbm>>) target(%dma_start3A_255 : memref<128xi32, #tpu.memory_space<vmem>>) offsets(%dma_start3A_258 : memref<128xi32, #tpu.memory_space<vmem>>) semaphore(%arg11 : memref<!tpu.dma_semaphore, #tpu.memory_space<semaphore_mem>>)
      %mul3A_261 = arith.constant 8 : i32
      %mul3A_262 = arith.muli %scan3A_213, %mul3A_261 : i32
      %add3A_263 = arith.constant 4 : i32
      %add3A_264 = arith.addi %mul3A_262, %add3A_263 : i32
      %dma_start3A_265 = arith.constant 0 : i32
      %dma_start3A_266 = tpu.memref_slice %arg8[%add3A_264, %dma_start3A_265] : memref<200x128xi32, #tpu.memory_space<vmem>> -> memref<1x128xi32, #tpu.memory_space<vmem>>
      %dma_start3A_267 = tpu.memref_squeeze %dma_start3A_266 : memref<1x128xi32, #tpu.memory_space<vmem>> -> memref<128xi32, #tpu.memory_space<vmem>>
      %dma_start3A_268 = arith.constant 0 : i32
      %dma_start3A_269 = tpu.memref_slice %arg7[%add3A_264, %dma_start3A_268] : memref<200x128xi32, #tpu.memory_space<vmem>> -> memref<1x128xi32, #tpu.memory_space<vmem>>
      %dma_start3A_270 = tpu.memref_squeeze %dma_start3A_269 : memref<1x128xi32, #tpu.memory_space<vmem>> -> memref<128xi32, #tpu.memory_space<vmem>>
      %dma_start3A_271 = arith.constant 0 : i32
      %dma_start3A_272 = tpu.memref_slice %arg3[%dma_start3A_271] : memref<100000xi32, #tpu.memory_space<hbm>> -> memref<100000xi32, #tpu.memory_space<hbm>>
      tpu.enqueue_indirect_dma source(%dma_start3A_272 : memref<100000xi32, #tpu.memory_space<hbm>>) target(%dma_start3A_267 : memref<128xi32, #tpu.memory_space<vmem>>) offsets(%dma_start3A_270 : memref<128xi32, #tpu.memory_space<vmem>>) semaphore(%arg11 : memref<!tpu.dma_semaphore, #tpu.memory_space<semaphore_mem>>)
      %mul3A_273 = arith.constant 8 : i32
      %mul3A_274 = arith.muli %scan3A_213, %mul3A_273 : i32
      %add3A_275 = arith.constant 5 : i32
      %add3A_276 = arith.addi %mul3A_274, %add3A_275 : i32
      %dma_start3A_277 = arith.constant 0 : i32
      %dma_start3A_278 = tpu.memref_slice %arg8[%add3A_276, %dma_start3A_277] : memref<200x128xi32, #tpu.memory_space<vmem>> -> memref<1x128xi32, #tpu.memory_space<vmem>>
      %dma_start3A_279 = tpu.memref_squeeze %dma_start3A_278 : memref<1x128xi32, #tpu.memory_space<vmem>> -> memref<128xi32, #tpu.memory_space<vmem>>
      %dma_start3A_280 = arith.constant 0 : i32
      %dma_start3A_281 = tpu.memref_slice %arg7[%add3A_276, %dma_start3A_280] : memref<200x128xi32, #tpu.memory_space<vmem>> -> memref<1x128xi32, #tpu.memory_space<vmem>>
      %dma_start3A_282 = tpu.memref_squeeze %dma_start3A_281 : memref<1x128xi32, #tpu.memory_space<vmem>> -> memref<128xi32, #tpu.memory_space<vmem>>
      %dma_start3A_283 = arith.constant 0 : i32
      %dma_start3A_284 = tpu.memref_slice %arg3[%dma_start3A_283] : memref<100000xi32, #tpu.memory_space<hbm>> -> memref<100000xi32, #tpu.memory_space<hbm>>
      tpu.enqueue_indirect_dma source(%dma_start3A_284 : memref<100000xi32, #tpu.memory_space<hbm>>) target(%dma_start3A_279 : memref<128xi32, #tpu.memory_space<vmem>>) offsets(%dma_start3A_282 : memref<128xi32, #tpu.memory_space<vmem>>) semaphore(%arg11 : memref<!tpu.dma_semaphore, #tpu.memory_space<semaphore_mem>>)
      %mul3A_285 = arith.constant 8 : i32
      %mul3A_286 = arith.muli %scan3A_213, %mul3A_285 : i32
      %add3A_287 = arith.constant 6 : i32
      %add3A_288 = arith.addi %mul3A_286, %add3A_287 : i32
      %dma_start3A_289 = arith.constant 0 : i32
      %dma_start3A_290 = tpu.memref_slice %arg8[%add3A_288, %dma_start3A_289] : memref<200x128xi32, #tpu.memory_space<vmem>> -> memref<1x128xi32, #tpu.memory_space<vmem>>
      %dma_start3A_291 = tpu.memref_squeeze %dma_start3A_290 : memref<1x128xi32, #tpu.memory_space<vmem>> -> memref<128xi32, #tpu.memory_space<vmem>>
      %dma_start3A_292 = arith.constant 0 : i32
      %dma_start3A_293 = tpu.memref_slice %arg7[%add3A_288, %dma_start3A_292] : memref<200x128xi32, #tpu.memory_space<vmem>> -> memref<1x128xi32, #tpu.memory_space<vmem>>
      %dma_start3A_294 = tpu.memref_squeeze %dma_start3A_293 : memref<1x128xi32, #tpu.memory_space<vmem>> -> memref<128xi32, #tpu.memory_space<vmem>>
      %dma_start3A_295 = arith.constant 0 : i32
      %dma_start3A_296 = tpu.memref_slice %arg3[%dma_start3A_295] : memref<100000xi32, #tpu.memory_space<hbm>> -> memref<100000xi32, #tpu.memory_space<hbm>>
      tpu.enqueue_indirect_dma source(%dma_start3A_296 : memref<100000xi32, #tpu.memory_space<hbm>>) target(%dma_start3A_291 : memref<128xi32, #tpu.memory_space<vmem>>) offsets(%dma_start3A_294 : memref<128xi32, #tpu.memory_space<vmem>>) semaphore(%arg11 : memref<!tpu.dma_semaphore, #tpu.memory_space<semaphore_mem>>)
      %mul3A_297 = arith.constant 8 : i32
      %mul3A_298 = arith.muli %scan3A_213, %mul3A_297 : i32
      %add3A_299 = arith.constant 7 : i32
      %add3A_300 = arith.addi %mul3A_298, %add3A_299 : i32
      %dma_start3A_301 = arith.constant 0 : i32
      %dma_start3A_302 = tpu.memref_slice %arg8[%add3A_300, %dma_start3A_301] : memref<200x128xi32, #tpu.memory_space<vmem>> -> memref<1x128xi32, #tpu.memory_space<vmem>>
      %dma_start3A_303 = tpu.memref_squeeze %dma_start3A_302 : memref<1x128xi32, #tpu.memory_space<vmem>> -> memref<128xi32, #tpu.memory_space<vmem>>
      %dma_start3A_304 = arith.constant 0 : i32
      %dma_start3A_305 = tpu.memref_slice %arg7[%add3A_300, %dma_start3A_304] : memref<200x128xi32, #tpu.memory_space<vmem>> -> memref<1x128xi32, #tpu.memory_space<vmem>>
      %dma_start3A_306 = tpu.memref_squeeze %dma_start3A_305 : memref<1x128xi32, #tpu.memory_space<vmem>> -> memref<128xi32, #tpu.memory_space<vmem>>
      %dma_start3A_307 = arith.constant 0 : i32
      %dma_start3A_308 = tpu.memref_slice %arg3[%dma_start3A_307] : memref<100000xi32, #tpu.memory_space<hbm>> -> memref<100000xi32, #tpu.memory_space<hbm>>
      tpu.enqueue_indirect_dma source(%dma_start3A_308 : memref<100000xi32, #tpu.memory_space<hbm>>) target(%dma_start3A_303 : memref<128xi32, #tpu.memory_space<vmem>>) offsets(%dma_start3A_306 : memref<128xi32, #tpu.memory_space<vmem>>) semaphore(%arg11 : memref<!tpu.dma_semaphore, #tpu.memory_space<semaphore_mem>>)
      %ne3A = arith.constant 0 : i32
      %ne3A_309 = arith.cmpi ne, %scan3A_213, %ne3A : i32
      %convert_element_type3A = arith.extui %ne3A_309 : i1 to i32
      %cond3A = arith.constant 0 : i32
      %cond3A_310 = arith.cmpi ne, %convert_element_type3A, %cond3A : i32
      scf.if %cond3A_310 {
        %dma_wait3A_311 = arith.constant 0 : i32
        %dma_wait3A_312 = arith.constant 0 : i32
        %dma_wait3A_313 = arith.constant 0 : i32
        %dma_wait3A_314 = tpu.memref_slice %arg8[%dma_wait3A_312, %dma_wait3A_313] : memref<200x128xi32, #tpu.memory_space<vmem>> -> memref<1x128xi32, #tpu.memory_space<vmem>>
        %dma_wait3A_315 = tpu.memref_squeeze %dma_wait3A_314 : memref<1x128xi32, #tpu.memory_space<vmem>> -> memref<128xi32, #tpu.memory_space<vmem>>
        %dma_wait3A_316 = arith.constant 0 : i32
        %dma_wait3A_317 = tpu.memref_slice %arg7[%dma_wait3A_311, %dma_wait3A_316] : memref<200x128xi32, #tpu.memory_space<vmem>> -> memref<1x128xi32, #tpu.memory_space<vmem>>
        %dma_wait3A_318 = tpu.memref_squeeze %dma_wait3A_317 : memref<1x128xi32, #tpu.memory_space<vmem>> -> memref<128xi32, #tpu.memory_space<vmem>>
        %dma_wait3A_319 = arith.constant 0 : i32
        %dma_wait3A_320 = tpu.memref_slice %arg3[%dma_wait3A_319] : memref<100000xi32, #tpu.memory_space<hbm>> -> memref<100000xi32, #tpu.memory_space<hbm>>
        tpu.wait_indirect_dma semaphore(%arg11 : memref<!tpu.dma_semaphore, #tpu.memory_space<semaphore_mem>>) src(%dma_wait3A_320 : memref<100000xi32, #tpu.memory_space<hbm>>) dst(%dma_wait3A_315 : memref<128xi32, #tpu.memory_space<vmem>>)
        %dma_wait3A_321 = arith.constant 0 : i32
        %dma_wait3A_322 = arith.constant 0 : i32
        %dma_wait3A_323 = arith.constant 0 : i32
        %dma_wait3A_324 = tpu.memref_slice %arg8[%dma_wait3A_322, %dma_wait3A_323] : memref<200x128xi32, #tpu.memory_space<vmem>> -> memref<1x128xi32, #tpu.memory_space<vmem>>
        %dma_wait3A_325 = tpu.memref_squeeze %dma_wait3A_324 : memref<1x128xi32, #tpu.memory_space<vmem>> -> memref<128xi32, #tpu.memory_space<vmem>>
        %dma_wait3A_326 = arith.constant 0 : i32
        %dma_wait3A_327 = tpu.memref_slice %arg7[%dma_wait3A_321, %dma_wait3A_326] : memref<200x128xi32, #tpu.memory_space<vmem>> -> memref<1x128xi32, #tpu.memory_space<vmem>>
        %dma_wait3A_328 = tpu.memref_squeeze %dma_wait3A_327 : memref<1x128xi32, #tpu.memory_space<vmem>> -> memref<128xi32, #tpu.memory_space<vmem>>
        %dma_wait3A_329 = arith.constant 0 : i32
        %dma_wait3A_330 = tpu.memref_slice %arg3[%dma_wait3A_329] : memref<100000xi32, #tpu.memory_space<hbm>> -> memref<100000xi32, #tpu.memory_space<hbm>>
        tpu.wait_indirect_dma semaphore(%arg11 : memref<!tpu.dma_semaphore, #tpu.memory_space<semaphore_mem>>) src(%dma_wait3A_330 : memref<100000xi32, #tpu.memory_space<hbm>>) dst(%dma_wait3A_325 : memref<128xi32, #tpu.memory_space<vmem>>)
        %dma_wait3A_331 = arith.constant 0 : i32
        %dma_wait3A_332 = arith.constant 0 : i32
        %dma_wait3A_333 = arith.constant 0 : i32
        %dma_wait3A_334 = tpu.memref_slice %arg8[%dma_wait3A_332, %dma_wait3A_333] : memref<200x128xi32, #tpu.memory_space<vmem>> -> memref<1x128xi32, #tpu.memory_space<vmem>>
        %dma_wait3A_335 = tpu.memref_squeeze %dma_wait3A_334 : memref<1x128xi32, #tpu.memory_space<vmem>> -> memref<128xi32, #tpu.memory_space<vmem>>
        %dma_wait3A_336 = arith.constant 0 : i32
        %dma_wait3A_337 = tpu.memref_slice %arg7[%dma_wait3A_331, %dma_wait3A_336] : memref<200x128xi32, #tpu.memory_space<vmem>> -> memref<1x128xi32, #tpu.memory_space<vmem>>
        %dma_wait3A_338 = tpu.memref_squeeze %dma_wait3A_337 : memref<1x128xi32, #tpu.memory_space<vmem>> -> memref<128xi32, #tpu.memory_space<vmem>>
        %dma_wait3A_339 = arith.constant 0 : i32
        %dma_wait3A_340 = tpu.memref_slice %arg3[%dma_wait3A_339] : memref<100000xi32, #tpu.memory_space<hbm>> -> memref<100000xi32, #tpu.memory_space<hbm>>
        tpu.wait_indirect_dma semaphore(%arg11 : memref<!tpu.dma_semaphore, #tpu.memory_space<semaphore_mem>>) src(%dma_wait3A_340 : memref<100000xi32, #tpu.memory_space<hbm>>) dst(%dma_wait3A_335 : memref<128xi32, #tpu.memory_space<vmem>>)
        %dma_wait3A_341 = arith.constant 0 : i32
        %dma_wait3A_342 = arith.constant 0 : i32
        %dma_wait3A_343 = arith.constant 0 : i32
        %dma_wait3A_344 = tpu.memref_slice %arg8[%dma_wait3A_342, %dma_wait3A_343] : memref<200x128xi32, #tpu.memory_space<vmem>> -> memref<1x128xi32, #tpu.memory_space<vmem>>
        %dma_wait3A_345 = tpu.memref_squeeze %dma_wait3A_344 : memref<1x128xi32, #tpu.memory_space<vmem>> -> memref<128xi32, #tpu.memory_space<vmem>>
        %dma_wait3A_346 = arith.constant 0 : i32
        %dma_wait3A_347 = tpu.memref_slice %arg7[%dma_wait3A_341, %dma_wait3A_346] : memref<200x128xi32, #tpu.memory_space<vmem>> -> memref<1x128xi32, #tpu.memory_space<vmem>>
        %dma_wait3A_348 = tpu.memref_squeeze %dma_wait3A_347 : memref<1x128xi32, #tpu.memory_space<vmem>> -> memref<128xi32, #tpu.memory_space<vmem>>
        %dma_wait3A_349 = arith.constant 0 : i32
        %dma_wait3A_350 = tpu.memref_slice %arg3[%dma_wait3A_349] : memref<100000xi32, #tpu.memory_space<hbm>> -> memref<100000xi32, #tpu.memory_space<hbm>>
        tpu.wait_indirect_dma semaphore(%arg11 : memref<!tpu.dma_semaphore, #tpu.memory_space<semaphore_mem>>) src(%dma_wait3A_350 : memref<100000xi32, #tpu.memory_space<hbm>>) dst(%dma_wait3A_345 : memref<128xi32, #tpu.memory_space<vmem>>)
        %dma_wait3A_351 = arith.constant 0 : i32
        %dma_wait3A_352 = arith.constant 0 : i32
        %dma_wait3A_353 = arith.constant 0 : i32
        %dma_wait3A_354 = tpu.memref_slice %arg8[%dma_wait3A_352, %dma_wait3A_353] : memref<200x128xi32, #tpu.memory_space<vmem>> -> memref<1x128xi32, #tpu.memory_space<vmem>>
        %dma_wait3A_355 = tpu.memref_squeeze %dma_wait3A_354 : memref<1x128xi32, #tpu.memory_space<vmem>> -> memref<128xi32, #tpu.memory_space<vmem>>
        %dma_wait3A_356 = arith.constant 0 : i32
        %dma_wait3A_357 = tpu.memref_slice %arg7[%dma_wait3A_351, %dma_wait3A_356] : memref<200x128xi32, #tpu.memory_space<vmem>> -> memref<1x128xi32, #tpu.memory_space<vmem>>
        %dma_wait3A_358 = tpu.memref_squeeze %dma_wait3A_357 : memref<1x128xi32, #tpu.memory_space<vmem>> -> memref<128xi32, #tpu.memory_space<vmem>>
        %dma_wait3A_359 = arith.constant 0 : i32
        %dma_wait3A_360 = tpu.memref_slice %arg3[%dma_wait3A_359] : memref<100000xi32, #tpu.memory_space<hbm>> -> memref<100000xi32, #tpu.memory_space<hbm>>
        tpu.wait_indirect_dma semaphore(%arg11 : memref<!tpu.dma_semaphore, #tpu.memory_space<semaphore_mem>>) src(%dma_wait3A_360 : memref<100000xi32, #tpu.memory_space<hbm>>) dst(%dma_wait3A_355 : memref<128xi32, #tpu.memory_space<vmem>>)
        %dma_wait3A_361 = arith.constant 0 : i32
        %dma_wait3A_362 = arith.constant 0 : i32
        %dma_wait3A_363 = arith.constant 0 : i32
        %dma_wait3A_364 = tpu.memref_slice %arg8[%dma_wait3A_362, %dma_wait3A_363] : memref<200x128xi32, #tpu.memory_space<vmem>> -> memref<1x128xi32, #tpu.memory_space<vmem>>
        %dma_wait3A_365 = tpu.memref_squeeze %dma_wait3A_364 : memref<1x128xi32, #tpu.memory_space<vmem>> -> memref<128xi32, #tpu.memory_space<vmem>>
        %dma_wait3A_366 = arith.constant 0 : i32
        %dma_wait3A_367 = tpu.memref_slice %arg7[%dma_wait3A_361, %dma_wait3A_366] : memref<200x128xi32, #tpu.memory_space<vmem>> -> memref<1x128xi32, #tpu.memory_space<vmem>>
        %dma_wait3A_368 = tpu.memref_squeeze %dma_wait3A_367 : memref<1x128xi32, #tpu.memory_space<vmem>> -> memref<128xi32, #tpu.memory_space<vmem>>
        %dma_wait3A_369 = arith.constant 0 : i32
        %dma_wait3A_370 = tpu.memref_slice %arg3[%dma_wait3A_369] : memref<100000xi32, #tpu.memory_space<hbm>> -> memref<100000xi32, #tpu.memory_space<hbm>>
        tpu.wait_indirect_dma semaphore(%arg11 : memref<!tpu.dma_semaphore, #tpu.memory_space<semaphore_mem>>) src(%dma_wait3A_370 : memref<100000xi32, #tpu.memory_space<hbm>>) dst(%dma_wait3A_365 : memref<128xi32, #tpu.memory_space<vmem>>)
        %dma_wait3A_371 = arith.constant 0 : i32
        %dma_wait3A_372 = arith.constant 0 : i32
        %dma_wait3A_373 = arith.constant 0 : i32
        %dma_wait3A_374 = tpu.memref_slice %arg8[%dma_wait3A_372, %dma_wait3A_373] : memref<200x128xi32, #tpu.memory_space<vmem>> -> memref<1x128xi32, #tpu.memory_space<vmem>>
        %dma_wait3A_375 = tpu.memref_squeeze %dma_wait3A_374 : memref<1x128xi32, #tpu.memory_space<vmem>> -> memref<128xi32, #tpu.memory_space<vmem>>
        %dma_wait3A_376 = arith.constant 0 : i32
        %dma_wait3A_377 = tpu.memref_slice %arg7[%dma_wait3A_371, %dma_wait3A_376] : memref<200x128xi32, #tpu.memory_space<vmem>> -> memref<1x128xi32, #tpu.memory_space<vmem>>
        %dma_wait3A_378 = tpu.memref_squeeze %dma_wait3A_377 : memref<1x128xi32, #tpu.memory_space<vmem>> -> memref<128xi32, #tpu.memory_space<vmem>>
        %dma_wait3A_379 = arith.constant 0 : i32
        %dma_wait3A_380 = tpu.memref_slice %arg3[%dma_wait3A_379] : memref<100000xi32, #tpu.memory_space<hbm>> -> memref<100000xi32, #tpu.memory_space<hbm>>
        tpu.wait_indirect_dma semaphore(%arg11 : memref<!tpu.dma_semaphore, #tpu.memory_space<semaphore_mem>>) src(%dma_wait3A_380 : memref<100000xi32, #tpu.memory_space<hbm>>) dst(%dma_wait3A_375 : memref<128xi32, #tpu.memory_space<vmem>>)
        %dma_wait3A_381 = arith.constant 0 : i32
        %dma_wait3A_382 = arith.constant 0 : i32
        %dma_wait3A_383 = arith.constant 0 : i32
        %dma_wait3A_384 = tpu.memref_slice %arg8[%dma_wait3A_382, %dma_wait3A_383] : memref<200x128xi32, #tpu.memory_space<vmem>> -> memref<1x128xi32, #tpu.memory_space<vmem>>
        %dma_wait3A_385 = tpu.memref_squeeze %dma_wait3A_384 : memref<1x128xi32, #tpu.memory_space<vmem>> -> memref<128xi32, #tpu.memory_space<vmem>>
        %dma_wait3A_386 = arith.constant 0 : i32
        %dma_wait3A_387 = tpu.memref_slice %arg7[%dma_wait3A_381, %dma_wait3A_386] : memref<200x128xi32, #tpu.memory_space<vmem>> -> memref<1x128xi32, #tpu.memory_space<vmem>>
        %dma_wait3A_388 = tpu.memref_squeeze %dma_wait3A_387 : memref<1x128xi32, #tpu.memory_space<vmem>> -> memref<128xi32, #tpu.memory_space<vmem>>
        %dma_wait3A_389 = arith.constant 0 : i32
        %dma_wait3A_390 = tpu.memref_slice %arg3[%dma_wait3A_389] : memref<100000xi32, #tpu.memory_space<hbm>> -> memref<100000xi32, #tpu.memory_space<hbm>>
        tpu.wait_indirect_dma semaphore(%arg11 : memref<!tpu.dma_semaphore, #tpu.memory_space<semaphore_mem>>) src(%dma_wait3A_390 : memref<100000xi32, #tpu.memory_space<hbm>>) dst(%dma_wait3A_385 : memref<128xi32, #tpu.memory_space<vmem>>)
      } else {
      }
    }
    %scan3A_7 = arith.constant 25 : i32
    %dma_wait3A = arith.constant 0 : i32
    %dma_wait3A_8 = arith.constant 0 : i32
    %dma_wait3A_9 = arith.constant 0 : i32
    %dma_wait3A_10 = tpu.memref_slice %arg8[%dma_wait3A_8, %dma_wait3A_9] : memref<200x128xi32, #tpu.memory_space<vmem>> -> memref<1x128xi32, #tpu.memory_space<vmem>>
    %dma_wait3A_11 = tpu.memref_squeeze %dma_wait3A_10 : memref<1x128xi32, #tpu.memory_space<vmem>> -> memref<128xi32, #tpu.memory_space<vmem>>
    %dma_wait3A_12 = arith.constant 0 : i32
    %dma_wait3A_13 = tpu.memref_slice %arg7[%dma_wait3A, %dma_wait3A_12] : memref<200x128xi32, #tpu.memory_space<vmem>> -> memref<1x128xi32, #tpu.memory_space<vmem>>
    %dma_wait3A_14 = tpu.memref_squeeze %dma_wait3A_13 : memref<1x128xi32, #tpu.memory_space<vmem>> -> memref<128xi32, #tpu.memory_space<vmem>>
    %dma_wait3A_15 = arith.constant 0 : i32
    %dma_wait3A_16 = tpu.memref_slice %arg3[%dma_wait3A_15] : memref<100000xi32, #tpu.memory_space<hbm>> -> memref<100000xi32, #tpu.memory_space<hbm>>
    tpu.wait_indirect_dma semaphore(%arg11 : memref<!tpu.dma_semaphore, #tpu.memory_space<semaphore_mem>>) src(%dma_wait3A_16 : memref<100000xi32, #tpu.memory_space<hbm>>) dst(%dma_wait3A_11 : memref<128xi32, #tpu.memory_space<vmem>>)
    %dma_wait3A_17 = arith.constant 0 : i32
    %dma_wait3A_18 = arith.constant 0 : i32
    %dma_wait3A_19 = arith.constant 0 : i32
    %dma_wait3A_20 = tpu.memref_slice %arg8[%dma_wait3A_18, %dma_wait3A_19] : memref<200x128xi32, #tpu.memory_space<vmem>> -> memref<1x128xi32, #tpu.memory_space<vmem>>
    %dma_wait3A_21 = tpu.memref_squeeze %dma_wait3A_20 : memref<1x128xi32, #tpu.memory_space<vmem>> -> memref<128xi32, #tpu.memory_space<vmem>>
    %dma_wait3A_22 = arith.constant 0 : i32
    %dma_wait3A_23 = tpu.memref_slice %arg7[%dma_wait3A_17, %dma_wait3A_22] : memref<200x128xi32, #tpu.memory_space<vmem>> -> memref<1x128xi32, #tpu.memory_space<vmem>>
    %dma_wait3A_24 = tpu.memref_squeeze %dma_wait3A_23 : memref<1x128xi32, #tpu.memory_space<vmem>> -> memref<128xi32, #tpu.memory_space<vmem>>
    %dma_wait3A_25 = arith.constant 0 : i32
    %dma_wait3A_26 = tpu.memref_slice %arg3[%dma_wait3A_25] : memref<100000xi32, #tpu.memory_space<hbm>> -> memref<100000xi32, #tpu.memory_space<hbm>>
    tpu.wait_indirect_dma semaphore(%arg11 : memref<!tpu.dma_semaphore, #tpu.memory_space<semaphore_mem>>) src(%dma_wait3A_26 : memref<100000xi32, #tpu.memory_space<hbm>>) dst(%dma_wait3A_21 : memref<128xi32, #tpu.memory_space<vmem>>)
    %dma_wait3A_27 = arith.constant 0 : i32
    %dma_wait3A_28 = arith.constant 0 : i32
    %dma_wait3A_29 = arith.constant 0 : i32
    %dma_wait3A_30 = tpu.memref_slice %arg8[%dma_wait3A_28, %dma_wait3A_29] : memref<200x128xi32, #tpu.memory_space<vmem>> -> memref<1x128xi32, #tpu.memory_space<vmem>>
    %dma_wait3A_31 = tpu.memref_squeeze %dma_wait3A_30 : memref<1x128xi32, #tpu.memory_space<vmem>> -> memref<128xi32, #tpu.memory_space<vmem>>
    %dma_wait3A_32 = arith.constant 0 : i32
    %dma_wait3A_33 = tpu.memref_slice %arg7[%dma_wait3A_27, %dma_wait3A_32] : memref<200x128xi32, #tpu.memory_space<vmem>> -> memref<1x128xi32, #tpu.memory_space<vmem>>
    %dma_wait3A_34 = tpu.memref_squeeze %dma_wait3A_33 : memref<1x128xi32, #tpu.memory_space<vmem>> -> memref<128xi32, #tpu.memory_space<vmem>>
    %dma_wait3A_35 = arith.constant 0 : i32
    %dma_wait3A_36 = tpu.memref_slice %arg3[%dma_wait3A_35] : memref<100000xi32, #tpu.memory_space<hbm>> -> memref<100000xi32, #tpu.memory_space<hbm>>
    tpu.wait_indirect_dma semaphore(%arg11 : memref<!tpu.dma_semaphore, #tpu.memory_space<semaphore_mem>>) src(%dma_wait3A_36 : memref<100000xi32, #tpu.memory_space<hbm>>) dst(%dma_wait3A_31 : memref<128xi32, #tpu.memory_space<vmem>>)
    %dma_wait3A_37 = arith.constant 0 : i32
    %dma_wait3A_38 = arith.constant 0 : i32
    %dma_wait3A_39 = arith.constant 0 : i32
    %dma_wait3A_40 = tpu.memref_slice %arg8[%dma_wait3A_38, %dma_wait3A_39] : memref<200x128xi32, #tpu.memory_space<vmem>> -> memref<1x128xi32, #tpu.memory_space<vmem>>
    %dma_wait3A_41 = tpu.memref_squeeze %dma_wait3A_40 : memref<1x128xi32, #tpu.memory_space<vmem>> -> memref<128xi32, #tpu.memory_space<vmem>>
    %dma_wait3A_42 = arith.constant 0 : i32
    %dma_wait3A_43 = tpu.memref_slice %arg7[%dma_wait3A_37, %dma_wait3A_42] : memref<200x128xi32, #tpu.memory_space<vmem>> -> memref<1x128xi32, #tpu.memory_space<vmem>>
    %dma_wait3A_44 = tpu.memref_squeeze %dma_wait3A_43 : memref<1x128xi32, #tpu.memory_space<vmem>> -> memref<128xi32, #tpu.memory_space<vmem>>
    %dma_wait3A_45 = arith.constant 0 : i32
    %dma_wait3A_46 = tpu.memref_slice %arg3[%dma_wait3A_45] : memref<100000xi32, #tpu.memory_space<hbm>> -> memref<100000xi32, #tpu.memory_space<hbm>>
    tpu.wait_indirect_dma semaphore(%arg11 : memref<!tpu.dma_semaphore, #tpu.memory_space<semaphore_mem>>) src(%dma_wait3A_46 : memref<100000xi32, #tpu.memory_space<hbm>>) dst(%dma_wait3A_41 : memref<128xi32, #tpu.memory_space<vmem>>)
    %dma_wait3A_47 = arith.constant 0 : i32
    %dma_wait3A_48 = arith.constant 0 : i32
    %dma_wait3A_49 = arith.constant 0 : i32
    %dma_wait3A_50 = tpu.memref_slice %arg8[%dma_wait3A_48, %dma_wait3A_49] : memref<200x128xi32, #tpu.memory_space<vmem>> -> memref<1x128xi32, #tpu.memory_space<vmem>>
    %dma_wait3A_51 = tpu.memref_squeeze %dma_wait3A_50 : memref<1x128xi32, #tpu.memory_space<vmem>> -> memref<128xi32, #tpu.memory_space<vmem>>
    %dma_wait3A_52 = arith.constant 0 : i32
    %dma_wait3A_53 = tpu.memref_slice %arg7[%dma_wait3A_47, %dma_wait3A_52] : memref<200x128xi32, #tpu.memory_space<vmem>> -> memref<1x128xi32, #tpu.memory_space<vmem>>
    %dma_wait3A_54 = tpu.memref_squeeze %dma_wait3A_53 : memref<1x128xi32, #tpu.memory_space<vmem>> -> memref<128xi32, #tpu.memory_space<vmem>>
    %dma_wait3A_55 = arith.constant 0 : i32
    %dma_wait3A_56 = tpu.memref_slice %arg3[%dma_wait3A_55] : memref<100000xi32, #tpu.memory_space<hbm>> -> memref<100000xi32, #tpu.memory_space<hbm>>
    tpu.wait_indirect_dma semaphore(%arg11 : memref<!tpu.dma_semaphore, #tpu.memory_space<semaphore_mem>>) src(%dma_wait3A_56 : memref<100000xi32, #tpu.memory_space<hbm>>) dst(%dma_wait3A_51 : memref<128xi32, #tpu.memory_space<vmem>>)
    %dma_wait3A_57 = arith.constant 0 : i32
    %dma_wait3A_58 = arith.constant 0 : i32
    %dma_wait3A_59 = arith.constant 0 : i32
    %dma_wait3A_60 = tpu.memref_slice %arg8[%dma_wait3A_58, %dma_wait3A_59] : memref<200x128xi32, #tpu.memory_space<vmem>> -> memref<1x128xi32, #tpu.memory_space<vmem>>
    %dma_wait3A_61 = tpu.memref_squeeze %dma_wait3A_60 : memref<1x128xi32, #tpu.memory_space<vmem>> -> memref<128xi32, #tpu.memory_space<vmem>>
    %dma_wait3A_62 = arith.constant 0 : i32
    %dma_wait3A_63 = tpu.memref_slice %arg7[%dma_wait3A_57, %dma_wait3A_62] : memref<200x128xi32, #tpu.memory_space<vmem>> -> memref<1x128xi32, #tpu.memory_space<vmem>>
    %dma_wait3A_64 = tpu.memref_squeeze %dma_wait3A_63 : memref<1x128xi32, #tpu.memory_space<vmem>> -> memref<128xi32, #tpu.memory_space<vmem>>
    %dma_wait3A_65 = arith.constant 0 : i32
    %dma_wait3A_66 = tpu.memref_slice %arg3[%dma_wait3A_65] : memref<100000xi32, #tpu.memory_space<hbm>> -> memref<100000xi32, #tpu.memory_space<hbm>>
    tpu.wait_indirect_dma semaphore(%arg11 : memref<!tpu.dma_semaphore, #tpu.memory_space<semaphore_mem>>) src(%dma_wait3A_66 : memref<100000xi32, #tpu.memory_space<hbm>>) dst(%dma_wait3A_61 : memref<128xi32, #tpu.memory_space<vmem>>)
    %dma_wait3A_67 = arith.constant 0 : i32
    %dma_wait3A_68 = arith.constant 0 : i32
    %dma_wait3A_69 = arith.constant 0 : i32
    %dma_wait3A_70 = tpu.memref_slice %arg8[%dma_wait3A_68, %dma_wait3A_69] : memref<200x128xi32, #tpu.memory_space<vmem>> -> memref<1x128xi32, #tpu.memory_space<vmem>>
    %dma_wait3A_71 = tpu.memref_squeeze %dma_wait3A_70 : memref<1x128xi32, #tpu.memory_space<vmem>> -> memref<128xi32, #tpu.memory_space<vmem>>
    %dma_wait3A_72 = arith.constant 0 : i32
    %dma_wait3A_73 = tpu.memref_slice %arg7[%dma_wait3A_67, %dma_wait3A_72] : memref<200x128xi32, #tpu.memory_space<vmem>> -> memref<1x128xi32, #tpu.memory_space<vmem>>
    %dma_wait3A_74 = tpu.memref_squeeze %dma_wait3A_73 : memref<1x128xi32, #tpu.memory_space<vmem>> -> memref<128xi32, #tpu.memory_space<vmem>>
    %dma_wait3A_75 = arith.constant 0 : i32
    %dma_wait3A_76 = tpu.memref_slice %arg3[%dma_wait3A_75] : memref<100000xi32, #tpu.memory_space<hbm>> -> memref<100000xi32, #tpu.memory_space<hbm>>
    tpu.wait_indirect_dma semaphore(%arg11 : memref<!tpu.dma_semaphore, #tpu.memory_space<semaphore_mem>>) src(%dma_wait3A_76 : memref<100000xi32, #tpu.memory_space<hbm>>) dst(%dma_wait3A_71 : memref<128xi32, #tpu.memory_space<vmem>>)
    %dma_wait3A_77 = arith.constant 0 : i32
    %dma_wait3A_78 = arith.constant 0 : i32
    %dma_wait3A_79 = arith.constant 0 : i32
    %dma_wait3A_80 = tpu.memref_slice %arg8[%dma_wait3A_78, %dma_wait3A_79] : memref<200x128xi32, #tpu.memory_space<vmem>> -> memref<1x128xi32, #tpu.memory_space<vmem>>
    %dma_wait3A_81 = tpu.memref_squeeze %dma_wait3A_80 : memref<1x128xi32, #tpu.memory_space<vmem>> -> memref<128xi32, #tpu.memory_space<vmem>>
    %dma_wait3A_82 = arith.constant 0 : i32
    %dma_wait3A_83 = tpu.memref_slice %arg7[%dma_wait3A_77, %dma_wait3A_82] : memref<200x128xi32, #tpu.memory_space<vmem>> -> memref<1x128xi32, #tpu.memory_space<vmem>>
    %dma_wait3A_84 = tpu.memref_squeeze %dma_wait3A_83 : memref<1x128xi32, #tpu.memory_space<vmem>> -> memref<128xi32, #tpu.memory_space<vmem>>
    %dma_wait3A_85 = arith.constant 0 : i32
    %dma_wait3A_86 = tpu.memref_slice %arg3[%dma_wait3A_85] : memref<100000xi32, #tpu.memory_space<hbm>> -> memref<100000xi32, #tpu.memory_space<hbm>>
    tpu.wait_indirect_dma semaphore(%arg11 : memref<!tpu.dma_semaphore, #tpu.memory_space<semaphore_mem>>) src(%dma_wait3A_86 : memref<100000xi32, #tpu.memory_space<hbm>>) dst(%dma_wait3A_81 : memref<128xi32, #tpu.memory_space<vmem>>)
    "tpu.trace_stop"() : () -> ()
    "tpu.trace_start"() <{level = 10 : i32, message = "p3_rows"}> : () -> ()
    %scan3A_87 = arith.constant 0 : i32
    %scan3A_88 = arith.constant 0 : i32
    %scan3A_89 = arith.constant 50 : i32
    %scan3A_90 = arith.addi %scan3A_88, %scan3A_89 : i32
    %scan3A_91 = arith.constant 1 : i32
    scf.for %scan3A_213 = %scan3A_88 to %scan3A_90 step %scan3A_91  : i32 {
      %mul3A_214 = arith.constant 4 : i32
      %mul3A_215 = arith.muli %scan3A_213, %mul3A_214 : i32
      %add3A_216 = arith.constant 0 : i32
      %add3A_217 = arith.addi %mul3A_215, %add3A_216 : i32
      %ne3A = arith.constant 0 : i32
      %ne3A_218 = arith.cmpi ne, %scan3A_213, %ne3A : i32
      %convert_element_type3A = arith.extui %ne3A_218 : i1 to i32
      %cond3A = arith.constant 0 : i32
      %cond3A_219 = arith.cmpi ne, %convert_element_type3A, %cond3A : i32
      scf.if %cond3A_219 {
        %dma_wait3A_554 = arith.constant 0 : i32
        %dma_wait3A_555 = arith.constant 0 : i32
        %dma_wait3A_556 = arith.constant 0 : i32
        %dma_wait3A_557 = tpu.memref_slice %arg9[%dma_wait3A_554, %dma_wait3A_555, %dma_wait3A_556] : memref<4x128x32xf32, #tpu.memory_space<vmem>> -> memref<1x128x32xf32, #tpu.memory_space<vmem>>
        %dma_wait3A_558 = tpu.memref_squeeze %dma_wait3A_557 : memref<1x128x32xf32, #tpu.memory_space<vmem>> -> memref<128x32xf32, #tpu.memory_space<vmem>>
        %dma_wait3A_559 = arith.constant 0 : i32
        %dma_wait3A_560 = arith.constant 0 : i32
        %dma_wait3A_561 = tpu.memref_slice %arg6[%dma_wait3A_559, %dma_wait3A_560] : memref<819200x128xf32, #tpu.memory_space<hbm>> -> memref<128x32xf32, #tpu.memory_space<hbm>>
        %dma_wait3A_562 = arith.constant 0 : i32
        %dma_wait3A_563 = arith.constant 0 : i32
        %dma_wait3A_564 = tpu.memref_slice %arg6[%dma_wait3A_562, %dma_wait3A_563] : memref<819200x128xf32, #tpu.memory_space<hbm>> -> memref<128x32xf32, #tpu.memory_space<hbm>>
        %dma_wait3A_565 = arith.constant 0 : i32
        %dma_wait3A_566 = arith.constant 0 : i32
        %dma_wait3A_567 = tpu.memref_slice %arg9[%dma_wait3A_554, %dma_wait3A_565, %dma_wait3A_566] : memref<4x128x32xf32, #tpu.memory_space<vmem>> -> memref<1x128x32xf32, #tpu.memory_space<vmem>>
        %dma_wait3A_568 = tpu.memref_squeeze %dma_wait3A_567 : memref<1x128x32xf32, #tpu.memory_space<vmem>> -> memref<128x32xf32, #tpu.memory_space<vmem>>
        tpu.wait_dma2 semaphore(%arg16 : memref<!tpu.dma_semaphore, #tpu.memory_space<semaphore_mem>>) src(%dma_wait3A_568 : memref<128x32xf32, #tpu.memory_space<vmem>>) dst(%dma_wait3A_564 : memref<128x32xf32, #tpu.memory_space<hbm>>)
        %dma_wait3A_569 = arith.constant 0 : i32
        %dma_wait3A_570 = arith.constant 0 : i32
        %dma_wait3A_571 = arith.constant 0 : i32
        %dma_wait3A_572 = tpu.memref_slice %arg10[%dma_wait3A_569, %dma_wait3A_570, %dma_wait3A_571] : memref<4x128x64xf32, #tpu.memory_space<vmem>> -> memref<1x128x64xf32, #tpu.memory_space<vmem>>
        %dma_wait3A_573 = tpu.memref_squeeze %dma_wait3A_572 : memref<1x128x64xf32, #tpu.memory_space<vmem>> -> memref<128x64xf32, #tpu.memory_space<vmem>>
        %dma_wait3A_574 = arith.constant 0 : i32
        %dma_wait3A_575 = arith.constant 32 : i32
        %dma_wait3A_576 = tpu.memref_slice %arg6[%dma_wait3A_574, %dma_wait3A_575] : memref<819200x128xf32, #tpu.memory_space<hbm>> -> memref<128x64xf32, #tpu.memory_space<hbm>>
        %dma_wait3A_577 = arith.constant 0 : i32
        %dma_wait3A_578 = arith.constant 32 : i32
        %dma_wait3A_579 = tpu.memref_slice %arg6[%dma_wait3A_577, %dma_wait3A_578] : memref<819200x128xf32, #tpu.memory_space<hbm>> -> memref<128x64xf32, #tpu.memory_space<hbm>>
        %dma_wait3A_580 = arith.constant 0 : i32
        %dma_wait3A_581 = arith.constant 0 : i32
        %dma_wait3A_582 = tpu.memref_slice %arg10[%dma_wait3A_569, %dma_wait3A_580, %dma_wait3A_581] : memref<4x128x64xf32, #tpu.memory_space<vmem>> -> memref<1x128x64xf32, #tpu.memory_space<vmem>>
        %dma_wait3A_583 = tpu.memref_squeeze %dma_wait3A_582 : memref<1x128x64xf32, #tpu.memory_space<vmem>> -> memref<128x64xf32, #tpu.memory_space<vmem>>
        tpu.wait_dma2 semaphore(%arg16 : memref<!tpu.dma_semaphore, #tpu.memory_space<semaphore_mem>>) src(%dma_wait3A_583 : memref<128x64xf32, #tpu.memory_space<vmem>>) dst(%dma_wait3A_579 : memref<128x64xf32, #tpu.memory_space<hbm>>)
      } else {
      }
      %dma_start3A = arith.constant 0 : i32
      %dma_start3A_220 = arith.constant 0 : i32
      %dma_start3A_221 = arith.constant 0 : i32
      %dma_start3A_222 = tpu.memref_slice %arg9[%dma_start3A, %dma_start3A_220, %dma_start3A_221] : memref<4x128x32xf32, #tpu.memory_space<vmem>> -> memref<1x128x32xf32, #tpu.memory_space<vmem>>
      %dma_start3A_223 = tpu.memref_squeeze %dma_start3A_222 : memref<1x128x32xf32, #tpu.memory_space<vmem>> -> memref<128x32xf32, #tpu.memory_space<vmem>>
      %dma_start3A_224 = arith.constant 0 : i32
      %dma_start3A_225 = tpu.memref_slice %arg7[%add3A_217, %dma_start3A_224] : memref<200x128xi32, #tpu.memory_space<vmem>> -> memref<1x128xi32, #tpu.memory_space<vmem>>
      %dma_start3A_226 = tpu.memref_squeeze %dma_start3A_225 : memref<1x128xi32, #tpu.memory_space<vmem>> -> memref<128xi32, #tpu.memory_space<vmem>>
      %dma_start3A_227 = arith.constant 0 : i32
      %dma_start3A_228 = arith.constant 0 : i32
      %dma_start3A_229 = tpu.memref_slice %arg4[%dma_start3A_227, %dma_start3A_228] : memref<100000x32xf32, #tpu.memory_space<hbm>> -> memref<100000x32xf32, #tpu.memory_space<hbm>>
      tpu.enqueue_indirect_dma source(%dma_start3A_229 : memref<100000x32xf32, #tpu.memory_space<hbm>>) target(%dma_start3A_223 : memref<128x32xf32, #tpu.memory_space<vmem>>) offsets(%dma_start3A_226 : memref<128xi32, #tpu.memory_space<vmem>>) semaphore(%arg12 : memref<!tpu.dma_semaphore, #tpu.memory_space<semaphore_mem>>)
      %dma_start3A_230 = arith.constant 0 : i32
      %dma_start3A_231 = arith.constant 0 : i32
      %dma_start3A_232 = arith.constant 0 : i32
      %dma_start3A_233 = tpu.memref_slice %arg10[%dma_start3A_230, %dma_start3A_231, %dma_start3A_232] : memref<4x128x64xf32, #tpu.memory_space<vmem>> -> memref<1x128x64xf32, #tpu.memory_space<vmem>>
      %dma_start3A_234 = tpu.memref_squeeze %dma_start3A_233 : memref<1x128x64xf32, #tpu.memory_space<vmem>> -> memref<128x64xf32, #tpu.memory_space<vmem>>
      %dma_start3A_235 = arith.constant 0 : i32
      %dma_start3A_236 = tpu.memref_slice %arg8[%add3A_217, %dma_start3A_235] : memref<200x128xi32, #tpu.memory_space<vmem>> -> memref<1x128xi32, #tpu.memory_space<vmem>>
      %dma_start3A_237 = tpu.memref_squeeze %dma_start3A_236 : memref<1x128xi32, #tpu.memory_space<vmem>> -> memref<128xi32, #tpu.memory_space<vmem>>
      %dma_start3A_238 = arith.constant 0 : i32
      %dma_start3A_239 = arith.constant 0 : i32
      %dma_start3A_240 = tpu.memref_slice %arg5[%dma_start3A_238, %dma_start3A_239] : memref<50000x64xf32, #tpu.memory_space<hbm>> -> memref<50000x64xf32, #tpu.memory_space<hbm>>
      tpu.enqueue_indirect_dma source(%dma_start3A_240 : memref<50000x64xf32, #tpu.memory_space<hbm>>) target(%dma_start3A_234 : memref<128x64xf32, #tpu.memory_space<vmem>>) offsets(%dma_start3A_237 : memref<128xi32, #tpu.memory_space<vmem>>) semaphore(%arg12 : memref<!tpu.dma_semaphore, #tpu.memory_space<semaphore_mem>>)
      %mul3A_241 = arith.constant 4 : i32
      %mul3A_242 = arith.muli %scan3A_213, %mul3A_241 : i32
      %add3A_243 = arith.constant 1 : i32
      %add3A_244 = arith.addi %mul3A_242, %add3A_243 : i32
      %ne3A_245 = arith.constant 0 : i32
      %ne3A_246 = arith.cmpi ne, %scan3A_213, %ne3A_245 : i32
      %convert_element_type3A_247 = arith.extui %ne3A_246 : i1 to i32
      %cond3A_248 = arith.constant 0 : i32
      %cond3A_249 = arith.cmpi ne, %convert_element_type3A_247, %cond3A_248 : i32
      scf.if %cond3A_249 {
        %dma_wait3A_554 = arith.constant 1 : i32
        %dma_wait3A_555 = arith.constant 0 : i32
        %dma_wait3A_556 = arith.constant 0 : i32
        %dma_wait3A_557 = tpu.memref_slice %arg9[%dma_wait3A_554, %dma_wait3A_555, %dma_wait3A_556] : memref<4x128x32xf32, #tpu.memory_space<vmem>> -> memref<1x128x32xf32, #tpu.memory_space<vmem>>
        %dma_wait3A_558 = tpu.memref_squeeze %dma_wait3A_557 : memref<1x128x32xf32, #tpu.memory_space<vmem>> -> memref<128x32xf32, #tpu.memory_space<vmem>>
        %dma_wait3A_559 = arith.constant 0 : i32
        %dma_wait3A_560 = arith.constant 0 : i32
        %dma_wait3A_561 = tpu.memref_slice %arg6[%dma_wait3A_559, %dma_wait3A_560] : memref<819200x128xf32, #tpu.memory_space<hbm>> -> memref<128x32xf32, #tpu.memory_space<hbm>>
        %dma_wait3A_562 = arith.constant 0 : i32
        %dma_wait3A_563 = arith.constant 0 : i32
        %dma_wait3A_564 = tpu.memref_slice %arg6[%dma_wait3A_562, %dma_wait3A_563] : memref<819200x128xf32, #tpu.memory_space<hbm>> -> memref<128x32xf32, #tpu.memory_space<hbm>>
        %dma_wait3A_565 = arith.constant 0 : i32
        %dma_wait3A_566 = arith.constant 0 : i32
        %dma_wait3A_567 = tpu.memref_slice %arg9[%dma_wait3A_554, %dma_wait3A_565, %dma_wait3A_566] : memref<4x128x32xf32, #tpu.memory_space<vmem>> -> memref<1x128x32xf32, #tpu.memory_space<vmem>>
        %dma_wait3A_568 = tpu.memref_squeeze %dma_wait3A_567 : memref<1x128x32xf32, #tpu.memory_space<vmem>> -> memref<128x32xf32, #tpu.memory_space<vmem>>
        tpu.wait_dma2 semaphore(%arg17 : memref<!tpu.dma_semaphore, #tpu.memory_space<semaphore_mem>>) src(%dma_wait3A_568 : memref<128x32xf32, #tpu.memory_space<vmem>>) dst(%dma_wait3A_564 : memref<128x32xf32, #tpu.memory_space<hbm>>)
        %dma_wait3A_569 = arith.constant 1 : i32
        %dma_wait3A_570 = arith.constant 0 : i32
        %dma_wait3A_571 = arith.constant 0 : i32
        %dma_wait3A_572 = tpu.memref_slice %arg10[%dma_wait3A_569, %dma_wait3A_570, %dma_wait3A_571] : memref<4x128x64xf32, #tpu.memory_space<vmem>> -> memref<1x128x64xf32, #tpu.memory_space<vmem>>
        %dma_wait3A_573 = tpu.memref_squeeze %dma_wait3A_572 : memref<1x128x64xf32, #tpu.memory_space<vmem>> -> memref<128x64xf32, #tpu.memory_space<vmem>>
        %dma_wait3A_574 = arith.constant 0 : i32
        %dma_wait3A_575 = arith.constant 32 : i32
        %dma_wait3A_576 = tpu.memref_slice %arg6[%dma_wait3A_574, %dma_wait3A_575] : memref<819200x128xf32, #tpu.memory_space<hbm>> -> memref<128x64xf32, #tpu.memory_space<hbm>>
        %dma_wait3A_577 = arith.constant 0 : i32
        %dma_wait3A_578 = arith.constant 32 : i32
        %dma_wait3A_579 = tpu.memref_slice %arg6[%dma_wait3A_577, %dma_wait3A_578] : memref<819200x128xf32, #tpu.memory_space<hbm>> -> memref<128x64xf32, #tpu.memory_space<hbm>>
        %dma_wait3A_580 = arith.constant 0 : i32
        %dma_wait3A_581 = arith.constant 0 : i32
        %dma_wait3A_582 = tpu.memref_slice %arg10[%dma_wait3A_569, %dma_wait3A_580, %dma_wait3A_581] : memref<4x128x64xf32, #tpu.memory_space<vmem>> -> memref<1x128x64xf32, #tpu.memory_space<vmem>>
        %dma_wait3A_583 = tpu.memref_squeeze %dma_wait3A_582 : memref<1x128x64xf32, #tpu.memory_space<vmem>> -> memref<128x64xf32, #tpu.memory_space<vmem>>
        tpu.wait_dma2 semaphore(%arg17 : memref<!tpu.dma_semaphore, #tpu.memory_space<semaphore_mem>>) src(%dma_wait3A_583 : memref<128x64xf32, #tpu.memory_space<vmem>>) dst(%dma_wait3A_579 : memref<128x64xf32, #tpu.memory_space<hbm>>)
      } else {
      }
      %dma_start3A_250 = arith.constant 1 : i32
      %dma_start3A_251 = arith.constant 0 : i32
      %dma_start3A_252 = arith.constant 0 : i32
      %dma_start3A_253 = tpu.memref_slice %arg9[%dma_start3A_250, %dma_start3A_251, %dma_start3A_252] : memref<4x128x32xf32, #tpu.memory_space<vmem>> -> memref<1x128x32xf32, #tpu.memory_space<vmem>>
      %dma_start3A_254 = tpu.memref_squeeze %dma_start3A_253 : memref<1x128x32xf32, #tpu.memory_space<vmem>> -> memref<128x32xf32, #tpu.memory_space<vmem>>
      %dma_start3A_255 = arith.constant 0 : i32
      %dma_start3A_256 = tpu.memref_slice %arg7[%add3A_244, %dma_start3A_255] : memref<200x128xi32, #tpu.memory_space<vmem>> -> memref<1x128xi32, #tpu.memory_space<vmem>>
      %dma_start3A_257 = tpu.memref_squeeze %dma_start3A_256 : memref<1x128xi32, #tpu.memory_space<vmem>> -> memref<128xi32, #tpu.memory_space<vmem>>
      %dma_start3A_258 = arith.constant 0 : i32
      %dma_start3A_259 = arith.constant 0 : i32
      %dma_start3A_260 = tpu.memref_slice %arg4[%dma_start3A_258, %dma_start3A_259] : memref<100000x32xf32, #tpu.memory_space<hbm>> -> memref<100000x32xf32, #tpu.memory_space<hbm>>
      tpu.enqueue_indirect_dma source(%dma_start3A_260 : memref<100000x32xf32, #tpu.memory_space<hbm>>) target(%dma_start3A_254 : memref<128x32xf32, #tpu.memory_space<vmem>>) offsets(%dma_start3A_257 : memref<128xi32, #tpu.memory_space<vmem>>) semaphore(%arg13 : memref<!tpu.dma_semaphore, #tpu.memory_space<semaphore_mem>>)
      %dma_start3A_261 = arith.constant 1 : i32
      %dma_start3A_262 = arith.constant 0 : i32
      %dma_start3A_263 = arith.constant 0 : i32
      %dma_start3A_264 = tpu.memref_slice %arg10[%dma_start3A_261, %dma_start3A_262, %dma_start3A_263] : memref<4x128x64xf32, #tpu.memory_space<vmem>> -> memref<1x128x64xf32, #tpu.memory_space<vmem>>
      %dma_start3A_265 = tpu.memref_squeeze %dma_start3A_264 : memref<1x128x64xf32, #tpu.memory_space<vmem>> -> memref<128x64xf32, #tpu.memory_space<vmem>>
      %dma_start3A_266 = arith.constant 0 : i32
      %dma_start3A_267 = tpu.memref_slice %arg8[%add3A_244, %dma_start3A_266] : memref<200x128xi32, #tpu.memory_space<vmem>> -> memref<1x128xi32, #tpu.memory_space<vmem>>
      %dma_start3A_268 = tpu.memref_squeeze %dma_start3A_267 : memref<1x128xi32, #tpu.memory_space<vmem>> -> memref<128xi32, #tpu.memory_space<vmem>>
      %dma_start3A_269 = arith.constant 0 : i32
      %dma_start3A_270 = arith.constant 0 : i32
      %dma_start3A_271 = tpu.memref_slice %arg5[%dma_start3A_269, %dma_start3A_270] : memref<50000x64xf32, #tpu.memory_space<hbm>> -> memref<50000x64xf32, #tpu.memory_space<hbm>>
      tpu.enqueue_indirect_dma source(%dma_start3A_271 : memref<50000x64xf32, #tpu.memory_space<hbm>>) target(%dma_start3A_265 : memref<128x64xf32, #tpu.memory_space<vmem>>) offsets(%dma_start3A_268 : memref<128xi32, #tpu.memory_space<vmem>>) semaphore(%arg13 : memref<!tpu.dma_semaphore, #tpu.memory_space<semaphore_mem>>)
      %mul3A_272 = arith.constant 4 : i32
      %mul3A_273 = arith.muli %scan3A_213, %mul3A_272 : i32
      %add3A_274 = arith.constant 2 : i32
      %add3A_275 = arith.addi %mul3A_273, %add3A_274 : i32
      %ne3A_276 = arith.constant 0 : i32
      %ne3A_277 = arith.cmpi ne, %scan3A_213, %ne3A_276 : i32
      %convert_element_type3A_278 = arith.extui %ne3A_277 : i1 to i32
      %cond3A_279 = arith.constant 0 : i32
      %cond3A_280 = arith.cmpi ne, %convert_element_type3A_278, %cond3A_279 : i32
      scf.if %cond3A_280 {
        %dma_wait3A_554 = arith.constant 2 : i32
        %dma_wait3A_555 = arith.constant 0 : i32
        %dma_wait3A_556 = arith.constant 0 : i32
        %dma_wait3A_557 = tpu.memref_slice %arg9[%dma_wait3A_554, %dma_wait3A_555, %dma_wait3A_556] : memref<4x128x32xf32, #tpu.memory_space<vmem>> -> memref<1x128x32xf32, #tpu.memory_space<vmem>>
        %dma_wait3A_558 = tpu.memref_squeeze %dma_wait3A_557 : memref<1x128x32xf32, #tpu.memory_space<vmem>> -> memref<128x32xf32, #tpu.memory_space<vmem>>
        %dma_wait3A_559 = arith.constant 0 : i32
        %dma_wait3A_560 = arith.constant 0 : i32
        %dma_wait3A_561 = tpu.memref_slice %arg6[%dma_wait3A_559, %dma_wait3A_560] : memref<819200x128xf32, #tpu.memory_space<hbm>> -> memref<128x32xf32, #tpu.memory_space<hbm>>
        %dma_wait3A_562 = arith.constant 0 : i32
        %dma_wait3A_563 = arith.constant 0 : i32
        %dma_wait3A_564 = tpu.memref_slice %arg6[%dma_wait3A_562, %dma_wait3A_563] : memref<819200x128xf32, #tpu.memory_space<hbm>> -> memref<128x32xf32, #tpu.memory_space<hbm>>
        %dma_wait3A_565 = arith.constant 0 : i32
        %dma_wait3A_566 = arith.constant 0 : i32
        %dma_wait3A_567 = tpu.memref_slice %arg9[%dma_wait3A_554, %dma_wait3A_565, %dma_wait3A_566] : memref<4x128x32xf32, #tpu.memory_space<vmem>> -> memref<1x128x32xf32, #tpu.memory_space<vmem>>
        %dma_wait3A_568 = tpu.memref_squeeze %dma_wait3A_567 : memref<1x128x32xf32, #tpu.memory_space<vmem>> -> memref<128x32xf32, #tpu.memory_space<vmem>>
        tpu.wait_dma2 semaphore(%arg18 : memref<!tpu.dma_semaphore, #tpu.memory_space<semaphore_mem>>) src(%dma_wait3A_568 : memref<128x32xf32, #tpu.memory_space<vmem>>) dst(%dma_wait3A_564 : memref<128x32xf32, #tpu.memory_space<hbm>>)
        %dma_wait3A_569 = arith.constant 2 : i32
        %dma_wait3A_570 = arith.constant 0 : i32
        %dma_wait3A_571 = arith.constant 0 : i32
        %dma_wait3A_572 = tpu.memref_slice %arg10[%dma_wait3A_569, %dma_wait3A_570, %dma_wait3A_571] : memref<4x128x64xf32, #tpu.memory_space<vmem>> -> memref<1x128x64xf32, #tpu.memory_space<vmem>>
        %dma_wait3A_573 = tpu.memref_squeeze %dma_wait3A_572 : memref<1x128x64xf32, #tpu.memory_space<vmem>> -> memref<128x64xf32, #tpu.memory_space<vmem>>
        %dma_wait3A_574 = arith.constant 0 : i32
        %dma_wait3A_575 = arith.constant 32 : i32
        %dma_wait3A_576 = tpu.memref_slice %arg6[%dma_wait3A_574, %dma_wait3A_575] : memref<819200x128xf32, #tpu.memory_space<hbm>> -> memref<128x64xf32, #tpu.memory_space<hbm>>
        %dma_wait3A_577 = arith.constant 0 : i32
        %dma_wait3A_578 = arith.constant 32 : i32
        %dma_wait3A_579 = tpu.memref_slice %arg6[%dma_wait3A_577, %dma_wait3A_578] : memref<819200x128xf32, #tpu.memory_space<hbm>> -> memref<128x64xf32, #tpu.memory_space<hbm>>
        %dma_wait3A_580 = arith.constant 0 : i32
        %dma_wait3A_581 = arith.constant 0 : i32
        %dma_wait3A_582 = tpu.memref_slice %arg10[%dma_wait3A_569, %dma_wait3A_580, %dma_wait3A_581] : memref<4x128x64xf32, #tpu.memory_space<vmem>> -> memref<1x128x64xf32, #tpu.memory_space<vmem>>
        %dma_wait3A_583 = tpu.memref_squeeze %dma_wait3A_582 : memref<1x128x64xf32, #tpu.memory_space<vmem>> -> memref<128x64xf32, #tpu.memory_space<vmem>>
        tpu.wait_dma2 semaphore(%arg18 : memref<!tpu.dma_semaphore, #tpu.memory_space<semaphore_mem>>) src(%dma_wait3A_583 : memref<128x64xf32, #tpu.memory_space<vmem>>) dst(%dma_wait3A_579 : memref<128x64xf32, #tpu.memory_space<hbm>>)
      } else {
      }
      %dma_start3A_281 = arith.constant 2 : i32
      %dma_start3A_282 = arith.constant 0 : i32
      %dma_start3A_283 = arith.constant 0 : i32
      %dma_start3A_284 = tpu.memref_slice %arg9[%dma_start3A_281, %dma_start3A_282, %dma_start3A_283] : memref<4x128x32xf32, #tpu.memory_space<vmem>> -> memref<1x128x32xf32, #tpu.memory_space<vmem>>
      %dma_start3A_285 = tpu.memref_squeeze %dma_start3A_284 : memref<1x128x32xf32, #tpu.memory_space<vmem>> -> memref<128x32xf32, #tpu.memory_space<vmem>>
      %dma_start3A_286 = arith.constant 0 : i32
      %dma_start3A_287 = tpu.memref_slice %arg7[%add3A_275, %dma_start3A_286] : memref<200x128xi32, #tpu.memory_space<vmem>> -> memref<1x128xi32, #tpu.memory_space<vmem>>
      %dma_start3A_288 = tpu.memref_squeeze %dma_start3A_287 : memref<1x128xi32, #tpu.memory_space<vmem>> -> memref<128xi32, #tpu.memory_space<vmem>>
      %dma_start3A_289 = arith.constant 0 : i32
      %dma_start3A_290 = arith.constant 0 : i32
      %dma_start3A_291 = tpu.memref_slice %arg4[%dma_start3A_289, %dma_start3A_290] : memref<100000x32xf32, #tpu.memory_space<hbm>> -> memref<100000x32xf32, #tpu.memory_space<hbm>>
      tpu.enqueue_indirect_dma source(%dma_start3A_291 : memref<100000x32xf32, #tpu.memory_space<hbm>>) target(%dma_start3A_285 : memref<128x32xf32, #tpu.memory_space<vmem>>) offsets(%dma_start3A_288 : memref<128xi32, #tpu.memory_space<vmem>>) semaphore(%arg14 : memref<!tpu.dma_semaphore, #tpu.memory_space<semaphore_mem>>)
      %dma_start3A_292 = arith.constant 2 : i32
      %dma_start3A_293 = arith.constant 0 : i32
      %dma_start3A_294 = arith.constant 0 : i32
      %dma_start3A_295 = tpu.memref_slice %arg10[%dma_start3A_292, %dma_start3A_293, %dma_start3A_294] : memref<4x128x64xf32, #tpu.memory_space<vmem>> -> memref<1x128x64xf32, #tpu.memory_space<vmem>>
      %dma_start3A_296 = tpu.memref_squeeze %dma_start3A_295 : memref<1x128x64xf32, #tpu.memory_space<vmem>> -> memref<128x64xf32, #tpu.memory_space<vmem>>
      %dma_start3A_297 = arith.constant 0 : i32
      %dma_start3A_298 = tpu.memref_slice %arg8[%add3A_275, %dma_start3A_297] : memref<200x128xi32, #tpu.memory_space<vmem>> -> memref<1x128xi32, #tpu.memory_space<vmem>>
      %dma_start3A_299 = tpu.memref_squeeze %dma_start3A_298 : memref<1x128xi32, #tpu.memory_space<vmem>> -> memref<128xi32, #tpu.memory_space<vmem>>
      %dma_start3A_300 = arith.constant 0 : i32
      %dma_start3A_301 = arith.constant 0 : i32
      %dma_start3A_302 = tpu.memref_slice %arg5[%dma_start3A_300, %dma_start3A_301] : memref<50000x64xf32, #tpu.memory_space<hbm>> -> memref<50000x64xf32, #tpu.memory_space<hbm>>
      tpu.enqueue_indirect_dma source(%dma_start3A_302 : memref<50000x64xf32, #tpu.memory_space<hbm>>) target(%dma_start3A_296 : memref<128x64xf32, #tpu.memory_space<vmem>>) offsets(%dma_start3A_299 : memref<128xi32, #tpu.memory_space<vmem>>) semaphore(%arg14 : memref<!tpu.dma_semaphore, #tpu.memory_space<semaphore_mem>>)
      %mul3A_303 = arith.constant 4 : i32
      %mul3A_304 = arith.muli %scan3A_213, %mul3A_303 : i32
      %add3A_305 = arith.constant 3 : i32
      %add3A_306 = arith.addi %mul3A_304, %add3A_305 : i32
      %ne3A_307 = arith.constant 0 : i32
      %ne3A_308 = arith.cmpi ne, %scan3A_213, %ne3A_307 : i32
      %convert_element_type3A_309 = arith.extui %ne3A_308 : i1 to i32
      %cond3A_310 = arith.constant 0 : i32
      %cond3A_311 = arith.cmpi ne, %convert_element_type3A_309, %cond3A_310 : i32
      scf.if %cond3A_311 {
        %dma_wait3A_554 = arith.constant 3 : i32
        %dma_wait3A_555 = arith.constant 0 : i32
        %dma_wait3A_556 = arith.constant 0 : i32
        %dma_wait3A_557 = tpu.memref_slice %arg9[%dma_wait3A_554, %dma_wait3A_555, %dma_wait3A_556] : memref<4x128x32xf32, #tpu.memory_space<vmem>> -> memref<1x128x32xf32, #tpu.memory_space<vmem>>
        %dma_wait3A_558 = tpu.memref_squeeze %dma_wait3A_557 : memref<1x128x32xf32, #tpu.memory_space<vmem>> -> memref<128x32xf32, #tpu.memory_space<vmem>>
        %dma_wait3A_559 = arith.constant 0 : i32
        %dma_wait3A_560 = arith.constant 0 : i32
        %dma_wait3A_561 = tpu.memref_slice %arg6[%dma_wait3A_559, %dma_wait3A_560] : memref<819200x128xf32, #tpu.memory_space<hbm>> -> memref<128x32xf32, #tpu.memory_space<hbm>>
        %dma_wait3A_562 = arith.constant 0 : i32
        %dma_wait3A_563 = arith.constant 0 : i32
        %dma_wait3A_564 = tpu.memref_slice %arg6[%dma_wait3A_562, %dma_wait3A_563] : memref<819200x128xf32, #tpu.memory_space<hbm>> -> memref<128x32xf32, #tpu.memory_space<hbm>>
        %dma_wait3A_565 = arith.constant 0 : i32
        %dma_wait3A_566 = arith.constant 0 : i32
        %dma_wait3A_567 = tpu.memref_slice %arg9[%dma_wait3A_554, %dma_wait3A_565, %dma_wait3A_566] : memref<4x128x32xf32, #tpu.memory_space<vmem>> -> memref<1x128x32xf32, #tpu.memory_space<vmem>>
        %dma_wait3A_568 = tpu.memref_squeeze %dma_wait3A_567 : memref<1x128x32xf32, #tpu.memory_space<vmem>> -> memref<128x32xf32, #tpu.memory_space<vmem>>
        tpu.wait_dma2 semaphore(%arg19 : memref<!tpu.dma_semaphore, #tpu.memory_space<semaphore_mem>>) src(%dma_wait3A_568 : memref<128x32xf32, #tpu.memory_space<vmem>>) dst(%dma_wait3A_564 : memref<128x32xf32, #tpu.memory_space<hbm>>)
        %dma_wait3A_569 = arith.constant 3 : i32
        %dma_wait3A_570 = arith.constant 0 : i32
        %dma_wait3A_571 = arith.constant 0 : i32
        %dma_wait3A_572 = tpu.memref_slice %arg10[%dma_wait3A_569, %dma_wait3A_570, %dma_wait3A_571] : memref<4x128x64xf32, #tpu.memory_space<vmem>> -> memref<1x128x64xf32, #tpu.memory_space<vmem>>
        %dma_wait3A_573 = tpu.memref_squeeze %dma_wait3A_572 : memref<1x128x64xf32, #tpu.memory_space<vmem>> -> memref<128x64xf32, #tpu.memory_space<vmem>>
        %dma_wait3A_574 = arith.constant 0 : i32
        %dma_wait3A_575 = arith.constant 32 : i32
        %dma_wait3A_576 = tpu.memref_slice %arg6[%dma_wait3A_574, %dma_wait3A_575] : memref<819200x128xf32, #tpu.memory_space<hbm>> -> memref<128x64xf32, #tpu.memory_space<hbm>>
        %dma_wait3A_577 = arith.constant 0 : i32
        %dma_wait3A_578 = arith.constant 32 : i32
        %dma_wait3A_579 = tpu.memref_slice %arg6[%dma_wait3A_577, %dma_wait3A_578] : memref<819200x128xf32, #tpu.memory_space<hbm>> -> memref<128x64xf32, #tpu.memory_space<hbm>>
        %dma_wait3A_580 = arith.constant 0 : i32
        %dma_wait3A_581 = arith.constant 0 : i32
        %dma_wait3A_582 = tpu.memref_slice %arg10[%dma_wait3A_569, %dma_wait3A_580, %dma_wait3A_581] : memref<4x128x64xf32, #tpu.memory_space<vmem>> -> memref<1x128x64xf32, #tpu.memory_space<vmem>>
        %dma_wait3A_583 = tpu.memref_squeeze %dma_wait3A_582 : memref<1x128x64xf32, #tpu.memory_space<vmem>> -> memref<128x64xf32, #tpu.memory_space<vmem>>
        tpu.wait_dma2 semaphore(%arg19 : memref<!tpu.dma_semaphore, #tpu.memory_space<semaphore_mem>>) src(%dma_wait3A_583 : memref<128x64xf32, #tpu.memory_space<vmem>>) dst(%dma_wait3A_579 : memref<128x64xf32, #tpu.memory_space<hbm>>)
      } else {
      }
      %dma_start3A_312 = arith.constant 3 : i32
      %dma_start3A_313 = arith.constant 0 : i32
      %dma_start3A_314 = arith.constant 0 : i32
      %dma_start3A_315 = tpu.memref_slice %arg9[%dma_start3A_312, %dma_start3A_313, %dma_start3A_314] : memref<4x128x32xf32, #tpu.memory_space<vmem>> -> memref<1x128x32xf32, #tpu.memory_space<vmem>>
      %dma_start3A_316 = tpu.memref_squeeze %dma_start3A_315 : memref<1x128x32xf32, #tpu.memory_space<vmem>> -> memref<128x32xf32, #tpu.memory_space<vmem>>
      %dma_start3A_317 = arith.constant 0 : i32
      %dma_start3A_318 = tpu.memref_slice %arg7[%add3A_306, %dma_start3A_317] : memref<200x128xi32, #tpu.memory_space<vmem>> -> memref<1x128xi32, #tpu.memory_space<vmem>>
      %dma_start3A_319 = tpu.memref_squeeze %dma_start3A_318 : memref<1x128xi32, #tpu.memory_space<vmem>> -> memref<128xi32, #tpu.memory_space<vmem>>
      %dma_start3A_320 = arith.constant 0 : i32
      %dma_start3A_321 = arith.constant 0 : i32
      %dma_start3A_322 = tpu.memref_slice %arg4[%dma_start3A_320, %dma_start3A_321] : memref<100000x32xf32, #tpu.memory_space<hbm>> -> memref<100000x32xf32, #tpu.memory_space<hbm>>
      tpu.enqueue_indirect_dma source(%dma_start3A_322 : memref<100000x32xf32, #tpu.memory_space<hbm>>) target(%dma_start3A_316 : memref<128x32xf32, #tpu.memory_space<vmem>>) offsets(%dma_start3A_319 : memref<128xi32, #tpu.memory_space<vmem>>) semaphore(%arg15 : memref<!tpu.dma_semaphore, #tpu.memory_space<semaphore_mem>>)
      %dma_start3A_323 = arith.constant 3 : i32
      %dma_start3A_324 = arith.constant 0 : i32
      %dma_start3A_325 = arith.constant 0 : i32
      %dma_start3A_326 = tpu.memref_slice %arg10[%dma_start3A_323, %dma_start3A_324, %dma_start3A_325] : memref<4x128x64xf32, #tpu.memory_space<vmem>> -> memref<1x128x64xf32, #tpu.memory_space<vmem>>
      %dma_start3A_327 = tpu.memref_squeeze %dma_start3A_326 : memref<1x128x64xf32, #tpu.memory_space<vmem>> -> memref<128x64xf32, #tpu.memory_space<vmem>>
      %dma_start3A_328 = arith.constant 0 : i32
      %dma_start3A_329 = tpu.memref_slice %arg8[%add3A_306, %dma_start3A_328] : memref<200x128xi32, #tpu.memory_space<vmem>> -> memref<1x128xi32, #tpu.memory_space<vmem>>
      %dma_start3A_330 = tpu.memref_squeeze %dma_start3A_329 : memref<1x128xi32, #tpu.memory_space<vmem>> -> memref<128xi32, #tpu.memory_space<vmem>>
      %dma_start3A_331 = arith.constant 0 : i32
      %dma_start3A_332 = arith.constant 0 : i32
      %dma_start3A_333 = tpu.memref_slice %arg5[%dma_start3A_331, %dma_start3A_332] : memref<50000x64xf32, #tpu.memory_space<hbm>> -> memref<50000x64xf32, #tpu.memory_space<hbm>>
      tpu.enqueue_indirect_dma source(%dma_start3A_333 : memref<50000x64xf32, #tpu.memory_space<hbm>>) target(%dma_start3A_327 : memref<128x64xf32, #tpu.memory_space<vmem>>) offsets(%dma_start3A_330 : memref<128xi32, #tpu.memory_space<vmem>>) semaphore(%arg15 : memref<!tpu.dma_semaphore, #tpu.memory_space<semaphore_mem>>)
      %mul3A_334 = arith.constant 4 : i32
      %mul3A_335 = arith.muli %scan3A_213, %mul3A_334 : i32
      %add3A_336 = arith.constant 0 : i32
      %add3A_337 = arith.addi %mul3A_335, %add3A_336 : i32
      %add3A_338 = arith.addi %mul3A_2, %add3A_337 : i32
      %mul3A_339 = arith.constant 128 : i32
      %mul3A_340 = arith.muli %add3A_338, %mul3A_339 : i32
      %dma_wait3A_341 = arith.constant 0 : i32
      %dma_wait3A_342 = arith.constant 0 : i32
      %dma_wait3A_343 = arith.constant 0 : i32
      %dma_wait3A_344 = tpu.memref_slice %arg9[%dma_wait3A_341, %dma_wait3A_342, %dma_wait3A_343] : memref<4x128x32xf32, #tpu.memory_space<vmem>> -> memref<1x128x32xf32, #tpu.memory_space<vmem>>
      %dma_wait3A_345 = tpu.memref_squeeze %dma_wait3A_344 : memref<1x128x32xf32, #tpu.memory_space<vmem>> -> memref<128x32xf32, #tpu.memory_space<vmem>>
      %dma_wait3A_346 = arith.constant 0 : i32
      %dma_wait3A_347 = tpu.memref_slice %arg7[%add3A_217, %dma_wait3A_346] : memref<200x128xi32, #tpu.memory_space<vmem>> -> memref<1x128xi32, #tpu.memory_space<vmem>>
      %dma_wait3A_348 = tpu.memref_squeeze %dma_wait3A_347 : memref<1x128xi32, #tpu.memory_space<vmem>> -> memref<128xi32, #tpu.memory_space<vmem>>
      %dma_wait3A_349 = arith.constant 0 : i32
      %dma_wait3A_350 = arith.constant 0 : i32
      %dma_wait3A_351 = tpu.memref_slice %arg4[%dma_wait3A_349, %dma_wait3A_350] : memref<100000x32xf32, #tpu.memory_space<hbm>> -> memref<100000x32xf32, #tpu.memory_space<hbm>>
      tpu.wait_indirect_dma semaphore(%arg12 : memref<!tpu.dma_semaphore, #tpu.memory_space<semaphore_mem>>) src(%dma_wait3A_351 : memref<100000x32xf32, #tpu.memory_space<hbm>>) dst(%dma_wait3A_345 : memref<128x32xf32, #tpu.memory_space<vmem>>)
      %dma_start3A_352 = arith.constant 0 : i32
      %dma_start3A_353 = arith.constant 0 : i32
      %dma_start3A_354 = arith.constant 0 : i32
      %dma_start3A_355 = tpu.memref_slice %arg9[%dma_start3A_352, %dma_start3A_353, %dma_start3A_354] : memref<4x128x32xf32, #tpu.memory_space<vmem>> -> memref<1x128x32xf32, #tpu.memory_space<vmem>>
      %dma_start3A_356 = tpu.memref_squeeze %dma_start3A_355 : memref<1x128x32xf32, #tpu.memory_space<vmem>> -> memref<128x32xf32, #tpu.memory_space<vmem>>
      %dma_start3A_357 = arith.constant 0 : i32
      %dma_start3A_358 = tpu.memref_slice %arg6[%mul3A_340, %dma_start3A_357] : memref<819200x128xf32, #tpu.memory_space<hbm>> -> memref<128x32xf32, #tpu.memory_space<hbm>>
      %dma_start3A_359 = arith.constant 0 : i32
      %dma_start3A_360 = tpu.memref_slice %arg6[%mul3A_340, %dma_start3A_359] : memref<819200x128xf32, #tpu.memory_space<hbm>> -> memref<128x32xf32, #tpu.memory_space<hbm>>
      %dma_start3A_361 = arith.constant 0 : i32
      %dma_start3A_362 = arith.constant 0 : i32
      %dma_start3A_363 = tpu.memref_slice %arg9[%dma_start3A_352, %dma_start3A_361, %dma_start3A_362] : memref<4x128x32xf32, #tpu.memory_space<vmem>> -> memref<1x128x32xf32, #tpu.memory_space<vmem>>
      %dma_start3A_364 = tpu.memref_squeeze %dma_start3A_363 : memref<1x128x32xf32, #tpu.memory_space<vmem>> -> memref<128x32xf32, #tpu.memory_space<vmem>>
      tpu.enqueue_dma source(%dma_start3A_364 : memref<128x32xf32, #tpu.memory_space<vmem>>) target(%dma_start3A_360 : memref<128x32xf32, #tpu.memory_space<hbm>>) target_semaphore(%arg16 : memref<!tpu.dma_semaphore, #tpu.memory_space<semaphore_mem>>)
      %dma_wait3A_365 = arith.constant 0 : i32
      %dma_wait3A_366 = arith.constant 0 : i32
      %dma_wait3A_367 = arith.constant 0 : i32
      %dma_wait3A_368 = tpu.memref_slice %arg10[%dma_wait3A_365, %dma_wait3A_366, %dma_wait3A_367] : memref<4x128x64xf32, #tpu.memory_space<vmem>> -> memref<1x128x64xf32, #tpu.memory_space<vmem>>
      %dma_wait3A_369 = tpu.memref_squeeze %dma_wait3A_368 : memref<1x128x64xf32, #tpu.memory_space<vmem>> -> memref<128x64xf32, #tpu.memory_space<vmem>>
      %dma_wait3A_370 = arith.constant 0 : i32
      %dma_wait3A_371 = tpu.memref_slice %arg8[%add3A_217, %dma_wait3A_370] : memref<200x128xi32, #tpu.memory_space<vmem>> -> memref<1x128xi32, #tpu.memory_space<vmem>>
      %dma_wait3A_372 = tpu.memref_squeeze %dma_wait3A_371 : memref<1x128xi32, #tpu.memory_space<vmem>> -> memref<128xi32, #tpu.memory_space<vmem>>
      %dma_wait3A_373 = arith.constant 0 : i32
      %dma_wait3A_374 = arith.constant 0 : i32
      %dma_wait3A_375 = tpu.memref_slice %arg5[%dma_wait3A_373, %dma_wait3A_374] : memref<50000x64xf32, #tpu.memory_space<hbm>> -> memref<50000x64xf32, #tpu.memory_space<hbm>>
      tpu.wait_indirect_dma semaphore(%arg12 : memref<!tpu.dma_semaphore, #tpu.memory_space<semaphore_mem>>) src(%dma_wait3A_375 : memref<50000x64xf32, #tpu.memory_space<hbm>>) dst(%dma_wait3A_369 : memref<128x64xf32, #tpu.memory_space<vmem>>)
      %dma_start3A_376 = arith.constant 0 : i32
      %dma_start3A_377 = arith.constant 0 : i32
      %dma_start3A_378 = arith.constant 0 : i32
      %dma_start3A_379 = tpu.memref_slice %arg10[%dma_start3A_376, %dma_start3A_377, %dma_start3A_378] : memref<4x128x64xf32, #tpu.memory_space<vmem>> -> memref<1x128x64xf32, #tpu.memory_space<vmem>>
      %dma_start3A_380 = tpu.memref_squeeze %dma_start3A_379 : memref<1x128x64xf32, #tpu.memory_space<vmem>> -> memref<128x64xf32, #tpu.memory_space<vmem>>
      %dma_start3A_381 = arith.constant 32 : i32
      %dma_start3A_382 = tpu.memref_slice %arg6[%mul3A_340, %dma_start3A_381] : memref<819200x128xf32, #tpu.memory_space<hbm>> -> memref<128x64xf32, #tpu.memory_space<hbm>>
      %dma_start3A_383 = arith.constant 32 : i32
      %dma_start3A_384 = tpu.memref_slice %arg6[%mul3A_340, %dma_start3A_383] : memref<819200x128xf32, #tpu.memory_space<hbm>> -> memref<128x64xf32, #tpu.memory_space<hbm>>
      %dma_start3A_385 = arith.constant 0 : i32
      %dma_start3A_386 = arith.constant 0 : i32
      %dma_start3A_387 = tpu.memref_slice %arg10[%dma_start3A_376, %dma_start3A_385, %dma_start3A_386] : memref<4x128x64xf32, #tpu.memory_space<vmem>> -> memref<1x128x64xf32, #tpu.memory_space<vmem>>
      %dma_start3A_388 = tpu.memref_squeeze %dma_start3A_387 : memref<1x128x64xf32, #tpu.memory_space<vmem>> -> memref<128x64xf32, #tpu.memory_space<vmem>>
      tpu.enqueue_dma source(%dma_start3A_388 : memref<128x64xf32, #tpu.memory_space<vmem>>) target(%dma_start3A_384 : memref<128x64xf32, #tpu.memory_space<hbm>>) target_semaphore(%arg16 : memref<!tpu.dma_semaphore, #tpu.memory_space<semaphore_mem>>)
      %mul3A_389 = arith.constant 4 : i32
      %mul3A_390 = arith.muli %scan3A_213, %mul3A_389 : i32
      %add3A_391 = arith.constant 1 : i32
      %add3A_392 = arith.addi %mul3A_390, %add3A_391 : i32
      %add3A_393 = arith.addi %mul3A_2, %add3A_392 : i32
      %mul3A_394 = arith.constant 128 : i32
      %mul3A_395 = arith.muli %add3A_393, %mul3A_394 : i32
      %dma_wait3A_396 = arith.constant 1 : i32
      %dma_wait3A_397 = arith.constant 0 : i32
      %dma_wait3A_398 = arith.constant 0 : i32
      %dma_wait3A_399 = tpu.memref_slice %arg9[%dma_wait3A_396, %dma_wait3A_397, %dma_wait3A_398] : memref<4x128x32xf32, #tpu.memory_space<vmem>> -> memref<1x128x32xf32, #tpu.memory_space<vmem>>
      %dma_wait3A_400 = tpu.memref_squeeze %dma_wait3A_399 : memref<1x128x32xf32, #tpu.memory_space<vmem>> -> memref<128x32xf32, #tpu.memory_space<vmem>>
      %dma_wait3A_401 = arith.constant 0 : i32
      %dma_wait3A_402 = tpu.memref_slice %arg7[%add3A_244, %dma_wait3A_401] : memref<200x128xi32, #tpu.memory_space<vmem>> -> memref<1x128xi32, #tpu.memory_space<vmem>>
      %dma_wait3A_403 = tpu.memref_squeeze %dma_wait3A_402 : memref<1x128xi32, #tpu.memory_space<vmem>> -> memref<128xi32, #tpu.memory_space<vmem>>
      %dma_wait3A_404 = arith.constant 0 : i32
      %dma_wait3A_405 = arith.constant 0 : i32
      %dma_wait3A_406 = tpu.memref_slice %arg4[%dma_wait3A_404, %dma_wait3A_405] : memref<100000x32xf32, #tpu.memory_space<hbm>> -> memref<100000x32xf32, #tpu.memory_space<hbm>>
      tpu.wait_indirect_dma semaphore(%arg13 : memref<!tpu.dma_semaphore, #tpu.memory_space<semaphore_mem>>) src(%dma_wait3A_406 : memref<100000x32xf32, #tpu.memory_space<hbm>>) dst(%dma_wait3A_400 : memref<128x32xf32, #tpu.memory_space<vmem>>)
      %dma_start3A_407 = arith.constant 1 : i32
      %dma_start3A_408 = arith.constant 0 : i32
      %dma_start3A_409 = arith.constant 0 : i32
      %dma_start3A_410 = tpu.memref_slice %arg9[%dma_start3A_407, %dma_start3A_408, %dma_start3A_409] : memref<4x128x32xf32, #tpu.memory_space<vmem>> -> memref<1x128x32xf32, #tpu.memory_space<vmem>>
      %dma_start3A_411 = tpu.memref_squeeze %dma_start3A_410 : memref<1x128x32xf32, #tpu.memory_space<vmem>> -> memref<128x32xf32, #tpu.memory_space<vmem>>
      %dma_start3A_412 = arith.constant 0 : i32
      %dma_start3A_413 = tpu.memref_slice %arg6[%mul3A_395, %dma_start3A_412] : memref<819200x128xf32, #tpu.memory_space<hbm>> -> memref<128x32xf32, #tpu.memory_space<hbm>>
      %dma_start3A_414 = arith.constant 0 : i32
      %dma_start3A_415 = tpu.memref_slice %arg6[%mul3A_395, %dma_start3A_414] : memref<819200x128xf32, #tpu.memory_space<hbm>> -> memref<128x32xf32, #tpu.memory_space<hbm>>
      %dma_start3A_416 = arith.constant 0 : i32
      %dma_start3A_417 = arith.constant 0 : i32
      %dma_start3A_418 = tpu.memref_slice %arg9[%dma_start3A_407, %dma_start3A_416, %dma_start3A_417] : memref<4x128x32xf32, #tpu.memory_space<vmem>> -> memref<1x128x32xf32, #tpu.memory_space<vmem>>
      %dma_start3A_419 = tpu.memref_squeeze %dma_start3A_418 : memref<1x128x32xf32, #tpu.memory_space<vmem>> -> memref<128x32xf32, #tpu.memory_space<vmem>>
      tpu.enqueue_dma source(%dma_start3A_419 : memref<128x32xf32, #tpu.memory_space<vmem>>) target(%dma_start3A_415 : memref<128x32xf32, #tpu.memory_space<hbm>>) target_semaphore(%arg17 : memref<!tpu.dma_semaphore, #tpu.memory_space<semaphore_mem>>)
      %dma_wait3A_420 = arith.constant 1 : i32
      %dma_wait3A_421 = arith.constant 0 : i32
      %dma_wait3A_422 = arith.constant 0 : i32
      %dma_wait3A_423 = tpu.memref_slice %arg10[%dma_wait3A_420, %dma_wait3A_421, %dma_wait3A_422] : memref<4x128x64xf32, #tpu.memory_space<vmem>> -> memref<1x128x64xf32, #tpu.memory_space<vmem>>
      %dma_wait3A_424 = tpu.memref_squeeze %dma_wait3A_423 : memref<1x128x64xf32, #tpu.memory_space<vmem>> -> memref<128x64xf32, #tpu.memory_space<vmem>>
      %dma_wait3A_425 = arith.constant 0 : i32
      %dma_wait3A_426 = tpu.memref_slice %arg8[%add3A_244, %dma_wait3A_425] : memref<200x128xi32, #tpu.memory_space<vmem>> -> memref<1x128xi32, #tpu.memory_space<vmem>>
      %dma_wait3A_427 = tpu.memref_squeeze %dma_wait3A_426 : memref<1x128xi32, #tpu.memory_space<vmem>> -> memref<128xi32, #tpu.memory_space<vmem>>
      %dma_wait3A_428 = arith.constant 0 : i32
      %dma_wait3A_429 = arith.constant 0 : i32
      %dma_wait3A_430 = tpu.memref_slice %arg5[%dma_wait3A_428, %dma_wait3A_429] : memref<50000x64xf32, #tpu.memory_space<hbm>> -> memref<50000x64xf32, #tpu.memory_space<hbm>>
      tpu.wait_indirect_dma semaphore(%arg13 : memref<!tpu.dma_semaphore, #tpu.memory_space<semaphore_mem>>) src(%dma_wait3A_430 : memref<50000x64xf32, #tpu.memory_space<hbm>>) dst(%dma_wait3A_424 : memref<128x64xf32, #tpu.memory_space<vmem>>)
      %dma_start3A_431 = arith.constant 1 : i32
      %dma_start3A_432 = arith.constant 0 : i32
      %dma_start3A_433 = arith.constant 0 : i32
      %dma_start3A_434 = tpu.memref_slice %arg10[%dma_start3A_431, %dma_start3A_432, %dma_start3A_433] : memref<4x128x64xf32, #tpu.memory_space<vmem>> -> memref<1x128x64xf32, #tpu.memory_space<vmem>>
      %dma_start3A_435 = tpu.memref_squeeze %dma_start3A_434 : memref<1x128x64xf32, #tpu.memory_space<vmem>> -> memref<128x64xf32, #tpu.memory_space<vmem>>
      %dma_start3A_436 = arith.constant 32 : i32
      %dma_start3A_437 = tpu.memref_slice %arg6[%mul3A_395, %dma_start3A_436] : memref<819200x128xf32, #tpu.memory_space<hbm>> -> memref<128x64xf32, #tpu.memory_space<hbm>>
      %dma_start3A_438 = arith.constant 32 : i32
      %dma_start3A_439 = tpu.memref_slice %arg6[%mul3A_395, %dma_start3A_438] : memref<819200x128xf32, #tpu.memory_space<hbm>> -> memref<128x64xf32, #tpu.memory_space<hbm>>
      %dma_start3A_440 = arith.constant 0 : i32
      %dma_start3A_441 = arith.constant 0 : i32
      %dma_start3A_442 = tpu.memref_slice %arg10[%dma_start3A_431, %dma_start3A_440, %dma_start3A_441] : memref<4x128x64xf32, #tpu.memory_space<vmem>> -> memref<1x128x64xf32, #tpu.memory_space<vmem>>
      %dma_start3A_443 = tpu.memref_squeeze %dma_start3A_442 : memref<1x128x64xf32, #tpu.memory_space<vmem>> -> memref<128x64xf32, #tpu.memory_space<vmem>>
      tpu.enqueue_dma source(%dma_start3A_443 : memref<128x64xf32, #tpu.memory_space<vmem>>) target(%dma_start3A_439 : memref<128x64xf32, #tpu.memory_space<hbm>>) target_semaphore(%arg17 : memref<!tpu.dma_semaphore, #tpu.memory_space<semaphore_mem>>)
      %mul3A_444 = arith.constant 4 : i32
      %mul3A_445 = arith.muli %scan3A_213, %mul3A_444 : i32
      %add3A_446 = arith.constant 2 : i32
      %add3A_447 = arith.addi %mul3A_445, %add3A_446 : i32
      %add3A_448 = arith.addi %mul3A_2, %add3A_447 : i32
      %mul3A_449 = arith.constant 128 : i32
      %mul3A_450 = arith.muli %add3A_448, %mul3A_449 : i32
      %dma_wait3A_451 = arith.constant 2 : i32
      %dma_wait3A_452 = arith.constant 0 : i32
      %dma_wait3A_453 = arith.constant 0 : i32
      %dma_wait3A_454 = tpu.memref_slice %arg9[%dma_wait3A_451, %dma_wait3A_452, %dma_wait3A_453] : memref<4x128x32xf32, #tpu.memory_space<vmem>> -> memref<1x128x32xf32, #tpu.memory_space<vmem>>
      %dma_wait3A_455 = tpu.memref_squeeze %dma_wait3A_454 : memref<1x128x32xf32, #tpu.memory_space<vmem>> -> memref<128x32xf32, #tpu.memory_space<vmem>>
      %dma_wait3A_456 = arith.constant 0 : i32
      %dma_wait3A_457 = tpu.memref_slice %arg7[%add3A_275, %dma_wait3A_456] : memref<200x128xi32, #tpu.memory_space<vmem>> -> memref<1x128xi32, #tpu.memory_space<vmem>>
      %dma_wait3A_458 = tpu.memref_squeeze %dma_wait3A_457 : memref<1x128xi32, #tpu.memory_space<vmem>> -> memref<128xi32, #tpu.memory_space<vmem>>
      %dma_wait3A_459 = arith.constant 0 : i32
      %dma_wait3A_460 = arith.constant 0 : i32
      %dma_wait3A_461 = tpu.memref_slice %arg4[%dma_wait3A_459, %dma_wait3A_460] : memref<100000x32xf32, #tpu.memory_space<hbm>> -> memref<100000x32xf32, #tpu.memory_space<hbm>>
      tpu.wait_indirect_dma semaphore(%arg14 : memref<!tpu.dma_semaphore, #tpu.memory_space<semaphore_mem>>) src(%dma_wait3A_461 : memref<100000x32xf32, #tpu.memory_space<hbm>>) dst(%dma_wait3A_455 : memref<128x32xf32, #tpu.memory_space<vmem>>)
      %dma_start3A_462 = arith.constant 2 : i32
      %dma_start3A_463 = arith.constant 0 : i32
      %dma_start3A_464 = arith.constant 0 : i32
      %dma_start3A_465 = tpu.memref_slice %arg9[%dma_start3A_462, %dma_start3A_463, %dma_start3A_464] : memref<4x128x32xf32, #tpu.memory_space<vmem>> -> memref<1x128x32xf32, #tpu.memory_space<vmem>>
      %dma_start3A_466 = tpu.memref_squeeze %dma_start3A_465 : memref<1x128x32xf32, #tpu.memory_space<vmem>> -> memref<128x32xf32, #tpu.memory_space<vmem>>
      %dma_start3A_467 = arith.constant 0 : i32
      %dma_start3A_468 = tpu.memref_slice %arg6[%mul3A_450, %dma_start3A_467] : memref<819200x128xf32, #tpu.memory_space<hbm>> -> memref<128x32xf32, #tpu.memory_space<hbm>>
      %dma_start3A_469 = arith.constant 0 : i32
      %dma_start3A_470 = tpu.memref_slice %arg6[%mul3A_450, %dma_start3A_469] : memref<819200x128xf32, #tpu.memory_space<hbm>> -> memref<128x32xf32, #tpu.memory_space<hbm>>
      %dma_start3A_471 = arith.constant 0 : i32
      %dma_start3A_472 = arith.constant 0 : i32
      %dma_start3A_473 = tpu.memref_slice %arg9[%dma_start3A_462, %dma_start3A_471, %dma_start3A_472] : memref<4x128x32xf32, #tpu.memory_space<vmem>> -> memref<1x128x32xf32, #tpu.memory_space<vmem>>
      %dma_start3A_474 = tpu.memref_squeeze %dma_start3A_473 : memref<1x128x32xf32, #tpu.memory_space<vmem>> -> memref<128x32xf32, #tpu.memory_space<vmem>>
      tpu.enqueue_dma source(%dma_start3A_474 : memref<128x32xf32, #tpu.memory_space<vmem>>) target(%dma_start3A_470 : memref<128x32xf32, #tpu.memory_space<hbm>>) target_semaphore(%arg18 : memref<!tpu.dma_semaphore, #tpu.memory_space<semaphore_mem>>)
      %dma_wait3A_475 = arith.constant 2 : i32
      %dma_wait3A_476 = arith.constant 0 : i32
      %dma_wait3A_477 = arith.constant 0 : i32
      %dma_wait3A_478 = tpu.memref_slice %arg10[%dma_wait3A_475, %dma_wait3A_476, %dma_wait3A_477] : memref<4x128x64xf32, #tpu.memory_space<vmem>> -> memref<1x128x64xf32, #tpu.memory_space<vmem>>
      %dma_wait3A_479 = tpu.memref_squeeze %dma_wait3A_478 : memref<1x128x64xf32, #tpu.memory_space<vmem>> -> memref<128x64xf32, #tpu.memory_space<vmem>>
      %dma_wait3A_480 = arith.constant 0 : i32
      %dma_wait3A_481 = tpu.memref_slice %arg8[%add3A_275, %dma_wait3A_480] : memref<200x128xi32, #tpu.memory_space<vmem>> -> memref<1x128xi32, #tpu.memory_space<vmem>>
      %dma_wait3A_482 = tpu.memref_squeeze %dma_wait3A_481 : memref<1x128xi32, #tpu.memory_space<vmem>> -> memref<128xi32, #tpu.memory_space<vmem>>
      %dma_wait3A_483 = arith.constant 0 : i32
      %dma_wait3A_484 = arith.constant 0 : i32
      %dma_wait3A_485 = tpu.memref_slice %arg5[%dma_wait3A_483, %dma_wait3A_484] : memref<50000x64xf32, #tpu.memory_space<hbm>> -> memref<50000x64xf32, #tpu.memory_space<hbm>>
      tpu.wait_indirect_dma semaphore(%arg14 : memref<!tpu.dma_semaphore, #tpu.memory_space<semaphore_mem>>) src(%dma_wait3A_485 : memref<50000x64xf32, #tpu.memory_space<hbm>>) dst(%dma_wait3A_479 : memref<128x64xf32, #tpu.memory_space<vmem>>)
      %dma_start3A_486 = arith.constant 2 : i32
      %dma_start3A_487 = arith.constant 0 : i32
      %dma_start3A_488 = arith.constant 0 : i32
      %dma_start3A_489 = tpu.memref_slice %arg10[%dma_start3A_486, %dma_start3A_487, %dma_start3A_488] : memref<4x128x64xf32, #tpu.memory_space<vmem>> -> memref<1x128x64xf32, #tpu.memory_space<vmem>>
      %dma_start3A_490 = tpu.memref_squeeze %dma_start3A_489 : memref<1x128x64xf32, #tpu.memory_space<vmem>> -> memref<128x64xf32, #tpu.memory_space<vmem>>
      %dma_start3A_491 = arith.constant 32 : i32
      %dma_start3A_492 = tpu.memref_slice %arg6[%mul3A_450, %dma_start3A_491] : memref<819200x128xf32, #tpu.memory_space<hbm>> -> memref<128x64xf32, #tpu.memory_space<hbm>>
      %dma_start3A_493 = arith.constant 32 : i32
      %dma_start3A_494 = tpu.memref_slice %arg6[%mul3A_450, %dma_start3A_493] : memref<819200x128xf32, #tpu.memory_space<hbm>> -> memref<128x64xf32, #tpu.memory_space<hbm>>
      %dma_start3A_495 = arith.constant 0 : i32
      %dma_start3A_496 = arith.constant 0 : i32
      %dma_start3A_497 = tpu.memref_slice %arg10[%dma_start3A_486, %dma_start3A_495, %dma_start3A_496] : memref<4x128x64xf32, #tpu.memory_space<vmem>> -> memref<1x128x64xf32, #tpu.memory_space<vmem>>
      %dma_start3A_498 = tpu.memref_squeeze %dma_start3A_497 : memref<1x128x64xf32, #tpu.memory_space<vmem>> -> memref<128x64xf32, #tpu.memory_space<vmem>>
      tpu.enqueue_dma source(%dma_start3A_498 : memref<128x64xf32, #tpu.memory_space<vmem>>) target(%dma_start3A_494 : memref<128x64xf32, #tpu.memory_space<hbm>>) target_semaphore(%arg18 : memref<!tpu.dma_semaphore, #tpu.memory_space<semaphore_mem>>)
      %mul3A_499 = arith.constant 4 : i32
      %mul3A_500 = arith.muli %scan3A_213, %mul3A_499 : i32
      %add3A_501 = arith.constant 3 : i32
      %add3A_502 = arith.addi %mul3A_500, %add3A_501 : i32
      %add3A_503 = arith.addi %mul3A_2, %add3A_502 : i32
      %mul3A_504 = arith.constant 128 : i32
      %mul3A_505 = arith.muli %add3A_503, %mul3A_504 : i32
      %dma_wait3A_506 = arith.constant 3 : i32
      %dma_wait3A_507 = arith.constant 0 : i32
      %dma_wait3A_508 = arith.constant 0 : i32
      %dma_wait3A_509 = tpu.memref_slice %arg9[%dma_wait3A_506, %dma_wait3A_507, %dma_wait3A_508] : memref<4x128x32xf32, #tpu.memory_space<vmem>> -> memref<1x128x32xf32, #tpu.memory_space<vmem>>
      %dma_wait3A_510 = tpu.memref_squeeze %dma_wait3A_509 : memref<1x128x32xf32, #tpu.memory_space<vmem>> -> memref<128x32xf32, #tpu.memory_space<vmem>>
      %dma_wait3A_511 = arith.constant 0 : i32
      %dma_wait3A_512 = tpu.memref_slice %arg7[%add3A_306, %dma_wait3A_511] : memref<200x128xi32, #tpu.memory_space<vmem>> -> memref<1x128xi32, #tpu.memory_space<vmem>>
      %dma_wait3A_513 = tpu.memref_squeeze %dma_wait3A_512 : memref<1x128xi32, #tpu.memory_space<vmem>> -> memref<128xi32, #tpu.memory_space<vmem>>
      %dma_wait3A_514 = arith.constant 0 : i32
      %dma_wait3A_515 = arith.constant 0 : i32
      %dma_wait3A_516 = tpu.memref_slice %arg4[%dma_wait3A_514, %dma_wait3A_515] : memref<100000x32xf32, #tpu.memory_space<hbm>> -> memref<100000x32xf32, #tpu.memory_space<hbm>>
      tpu.wait_indirect_dma semaphore(%arg15 : memref<!tpu.dma_semaphore, #tpu.memory_space<semaphore_mem>>) src(%dma_wait3A_516 : memref<100000x32xf32, #tpu.memory_space<hbm>>) dst(%dma_wait3A_510 : memref<128x32xf32, #tpu.memory_space<vmem>>)
      %dma_start3A_517 = arith.constant 3 : i32
      %dma_start3A_518 = arith.constant 0 : i32
      %dma_start3A_519 = arith.constant 0 : i32
      %dma_start3A_520 = tpu.memref_slice %arg9[%dma_start3A_517, %dma_start3A_518, %dma_start3A_519] : memref<4x128x32xf32, #tpu.memory_space<vmem>> -> memref<1x128x32xf32, #tpu.memory_space<vmem>>
      %dma_start3A_521 = tpu.memref_squeeze %dma_start3A_520 : memref<1x128x32xf32, #tpu.memory_space<vmem>> -> memref<128x32xf32, #tpu.memory_space<vmem>>
      %dma_start3A_522 = arith.constant 0 : i32
      %dma_start3A_523 = tpu.memref_slice %arg6[%mul3A_505, %dma_start3A_522] : memref<819200x128xf32, #tpu.memory_space<hbm>> -> memref<128x32xf32, #tpu.memory_space<hbm>>
      %dma_start3A_524 = arith.constant 0 : i32
      %dma_start3A_525 = tpu.memref_slice %arg6[%mul3A_505, %dma_start3A_524] : memref<819200x128xf32, #tpu.memory_space<hbm>> -> memref<128x32xf32, #tpu.memory_space<hbm>>
      %dma_start3A_526 = arith.constant 0 : i32
      %dma_start3A_527 = arith.constant 0 : i32
      %dma_start3A_528 = tpu.memref_slice %arg9[%dma_start3A_517, %dma_start3A_526, %dma_start3A_527] : memref<4x128x32xf32, #tpu.memory_space<vmem>> -> memref<1x128x32xf32, #tpu.memory_space<vmem>>
      %dma_start3A_529 = tpu.memref_squeeze %dma_start3A_528 : memref<1x128x32xf32, #tpu.memory_space<vmem>> -> memref<128x32xf32, #tpu.memory_space<vmem>>
      tpu.enqueue_dma source(%dma_start3A_529 : memref<128x32xf32, #tpu.memory_space<vmem>>) target(%dma_start3A_525 : memref<128x32xf32, #tpu.memory_space<hbm>>) target_semaphore(%arg19 : memref<!tpu.dma_semaphore, #tpu.memory_space<semaphore_mem>>)
      %dma_wait3A_530 = arith.constant 3 : i32
      %dma_wait3A_531 = arith.constant 0 : i32
      %dma_wait3A_532 = arith.constant 0 : i32
      %dma_wait3A_533 = tpu.memref_slice %arg10[%dma_wait3A_530, %dma_wait3A_531, %dma_wait3A_532] : memref<4x128x64xf32, #tpu.memory_space<vmem>> -> memref<1x128x64xf32, #tpu.memory_space<vmem>>
      %dma_wait3A_534 = tpu.memref_squeeze %dma_wait3A_533 : memref<1x128x64xf32, #tpu.memory_space<vmem>> -> memref<128x64xf32, #tpu.memory_space<vmem>>
      %dma_wait3A_535 = arith.constant 0 : i32
      %dma_wait3A_536 = tpu.memref_slice %arg8[%add3A_306, %dma_wait3A_535] : memref<200x128xi32, #tpu.memory_space<vmem>> -> memref<1x128xi32, #tpu.memory_space<vmem>>
      %dma_wait3A_537 = tpu.memref_squeeze %dma_wait3A_536 : memref<1x128xi32, #tpu.memory_space<vmem>> -> memref<128xi32, #tpu.memory_space<vmem>>
      %dma_wait3A_538 = arith.constant 0 : i32
      %dma_wait3A_539 = arith.constant 0 : i32
      %dma_wait3A_540 = tpu.memref_slice %arg5[%dma_wait3A_538, %dma_wait3A_539] : memref<50000x64xf32, #tpu.memory_space<hbm>> -> memref<50000x64xf32, #tpu.memory_space<hbm>>
      tpu.wait_indirect_dma semaphore(%arg15 : memref<!tpu.dma_semaphore, #tpu.memory_space<semaphore_mem>>) src(%dma_wait3A_540 : memref<50000x64xf32, #tpu.memory_space<hbm>>) dst(%dma_wait3A_534 : memref<128x64xf32, #tpu.memory_space<vmem>>)
      %dma_start3A_541 = arith.constant 3 : i32
      %dma_start3A_542 = arith.constant 0 : i32
      %dma_start3A_543 = arith.constant 0 : i32
      %dma_start3A_544 = tpu.memref_slice %arg10[%dma_start3A_541, %dma_start3A_542, %dma_start3A_543] : memref<4x128x64xf32, #tpu.memory_space<vmem>> -> memref<1x128x64xf32, #tpu.memory_space<vmem>>
      %dma_start3A_545 = tpu.memref_squeeze %dma_start3A_544 : memref<1x128x64xf32, #tpu.memory_space<vmem>> -> memref<128x64xf32, #tpu.memory_space<vmem>>
      %dma_start3A_546 = arith.constant 32 : i32
      %dma_start3A_547 = tpu.memref_slice %arg6[%mul3A_505, %dma_start3A_546] : memref<819200x128xf32, #tpu.memory_space<hbm>> -> memref<128x64xf32, #tpu.memory_space<hbm>>
      %dma_start3A_548 = arith.constant 32 : i32
      %dma_start3A_549 = tpu.memref_slice %arg6[%mul3A_505, %dma_start3A_548] : memref<819200x128xf32, #tpu.memory_space<hbm>> -> memref<128x64xf32, #tpu.memory_space<hbm>>
      %dma_start3A_550 = arith.constant 0 : i32
      %dma_start3A_551 = arith.constant 0 : i32
      %dma_start3A_552 = tpu.memref_slice %arg10[%dma_start3A_541, %dma_start3A_550, %dma_start3A_551] : memref<4x128x64xf32, #tpu.memory_space<vmem>> -> memref<1x128x64xf32, #tpu.memory_space<vmem>>
      %dma_start3A_553 = tpu.memref_squeeze %dma_start3A_552 : memref<1x128x64xf32, #tpu.memory_space<vmem>> -> memref<128x64xf32, #tpu.memory_space<vmem>>
      tpu.enqueue_dma source(%dma_start3A_553 : memref<128x64xf32, #tpu.memory_space<vmem>>) target(%dma_start3A_549 : memref<128x64xf32, #tpu.memory_space<hbm>>) target_semaphore(%arg19 : memref<!tpu.dma_semaphore, #tpu.memory_space<semaphore_mem>>)
    }
    %scan3A_92 = arith.constant 50 : i32
    %dma_wait3A_93 = arith.constant 0 : i32
    %dma_wait3A_94 = arith.constant 0 : i32
    %dma_wait3A_95 = arith.constant 0 : i32
    %dma_wait3A_96 = tpu.memref_slice %arg9[%dma_wait3A_93, %dma_wait3A_94, %dma_wait3A_95] : memref<4x128x32xf32, #tpu.memory_space<vmem>> -> memref<1x128x32xf32, #tpu.memory_space<vmem>>
    %dma_wait3A_97 = tpu.memref_squeeze %dma_wait3A_96 : memref<1x128x32xf32, #tpu.memory_space<vmem>> -> memref<128x32xf32, #tpu.memory_space<vmem>>
    %dma_wait3A_98 = arith.constant 0 : i32
    %dma_wait3A_99 = arith.constant 0 : i32
    %dma_wait3A_100 = tpu.memref_slice %arg6[%dma_wait3A_98, %dma_wait3A_99] : memref<819200x128xf32, #tpu.memory_space<hbm>> -> memref<128x32xf32, #tpu.memory_space<hbm>>
    %dma_wait3A_101 = arith.constant 0 : i32
    %dma_wait3A_102 = arith.constant 0 : i32
    %dma_wait3A_103 = tpu.memref_slice %arg6[%dma_wait3A_101, %dma_wait3A_102] : memref<819200x128xf32, #tpu.memory_space<hbm>> -> memref<128x32xf32, #tpu.memory_space<hbm>>
    %dma_wait3A_104 = arith.constant 0 : i32
    %dma_wait3A_105 = arith.constant 0 : i32
    %dma_wait3A_106 = tpu.memref_slice %arg9[%dma_wait3A_93, %dma_wait3A_104, %dma_wait3A_105] : memref<4x128x32xf32, #tpu.memory_space<vmem>> -> memref<1x128x32xf32, #tpu.memory_space<vmem>>
    %dma_wait3A_107 = tpu.memref_squeeze %dma_wait3A_106 : memref<1x128x32xf32, #tpu.memory_space<vmem>> -> memref<128x32xf32, #tpu.memory_space<vmem>>
    tpu.wait_dma2 semaphore(%arg16 : memref<!tpu.dma_semaphore, #tpu.memory_space<semaphore_mem>>) src(%dma_wait3A_107 : memref<128x32xf32, #tpu.memory_space<vmem>>) dst(%dma_wait3A_103 : memref<128x32xf32, #tpu.memory_space<hbm>>)
    %dma_wait3A_108 = arith.constant 0 : i32
    %dma_wait3A_109 = arith.constant 0 : i32
    %dma_wait3A_110 = arith.constant 0 : i32
    %dma_wait3A_111 = tpu.memref_slice %arg10[%dma_wait3A_108, %dma_wait3A_109, %dma_wait3A_110] : memref<4x128x64xf32, #tpu.memory_space<vmem>> -> memref<1x128x64xf32, #tpu.memory_space<vmem>>
    %dma_wait3A_112 = tpu.memref_squeeze %dma_wait3A_111 : memref<1x128x64xf32, #tpu.memory_space<vmem>> -> memref<128x64xf32, #tpu.memory_space<vmem>>
    %dma_wait3A_113 = arith.constant 0 : i32
    %dma_wait3A_114 = arith.constant 32 : i32
    %dma_wait3A_115 = tpu.memref_slice %arg6[%dma_wait3A_113, %dma_wait3A_114] : memref<819200x128xf32, #tpu.memory_space<hbm>> -> memref<128x64xf32, #tpu.memory_space<hbm>>
    %dma_wait3A_116 = arith.constant 0 : i32
    %dma_wait3A_117 = arith.constant 32 : i32
    %dma_wait3A_118 = tpu.memref_slice %arg6[%dma_wait3A_116, %dma_wait3A_117] : memref<819200x128xf32, #tpu.memory_space<hbm>> -> memref<128x64xf32, #tpu.memory_space<hbm>>
    %dma_wait3A_119 = arith.constant 0 : i32
    %dma_wait3A_120 = arith.constant 0 : i32
    %dma_wait3A_121 = tpu.memref_slice %arg10[%dma_wait3A_108, %dma_wait3A_119, %dma_wait3A_120] : memref<4x128x64xf32, #tpu.memory_space<vmem>> -> memref<1x128x64xf32, #tpu.memory_space<vmem>>
    %dma_wait3A_122 = tpu.memref_squeeze %dma_wait3A_121 : memref<1x128x64xf32, #tpu.memory_space<vmem>> -> memref<128x64xf32, #tpu.memory_space<vmem>>
    tpu.wait_dma2 semaphore(%arg16 : memref<!tpu.dma_semaphore, #tpu.memory_space<semaphore_mem>>) src(%dma_wait3A_122 : memref<128x64xf32, #tpu.memory_space<vmem>>) dst(%dma_wait3A_118 : memref<128x64xf32, #tpu.memory_space<hbm>>)
    %dma_wait3A_123 = arith.constant 1 : i32
    %dma_wait3A_124 = arith.constant 0 : i32
    %dma_wait3A_125 = arith.constant 0 : i32
    %dma_wait3A_126 = tpu.memref_slice %arg9[%dma_wait3A_123, %dma_wait3A_124, %dma_wait3A_125] : memref<4x128x32xf32, #tpu.memory_space<vmem>> -> memref<1x128x32xf32, #tpu.memory_space<vmem>>
    %dma_wait3A_127 = tpu.memref_squeeze %dma_wait3A_126 : memref<1x128x32xf32, #tpu.memory_space<vmem>> -> memref<128x32xf32, #tpu.memory_space<vmem>>
    %dma_wait3A_128 = arith.constant 0 : i32
    %dma_wait3A_129 = arith.constant 0 : i32
    %dma_wait3A_130 = tpu.memref_slice %arg6[%dma_wait3A_128, %dma_wait3A_129] : memref<819200x128xf32, #tpu.memory_space<hbm>> -> memref<128x32xf32, #tpu.memory_space<hbm>>
    %dma_wait3A_131 = arith.constant 0 : i32
    %dma_wait3A_132 = arith.constant 0 : i32
    %dma_wait3A_133 = tpu.memref_slice %arg6[%dma_wait3A_131, %dma_wait3A_132] : memref<819200x128xf32, #tpu.memory_space<hbm>> -> memref<128x32xf32, #tpu.memory_space<hbm>>
    %dma_wait3A_134 = arith.constant 0 : i32
    %dma_wait3A_135 = arith.constant 0 : i32
    %dma_wait3A_136 = tpu.memref_slice %arg9[%dma_wait3A_123, %dma_wait3A_134, %dma_wait3A_135] : memref<4x128x32xf32, #tpu.memory_space<vmem>> -> memref<1x128x32xf32, #tpu.memory_space<vmem>>
    %dma_wait3A_137 = tpu.memref_squeeze %dma_wait3A_136 : memref<1x128x32xf32, #tpu.memory_space<vmem>> -> memref<128x32xf32, #tpu.memory_space<vmem>>
    tpu.wait_dma2 semaphore(%arg17 : memref<!tpu.dma_semaphore, #tpu.memory_space<semaphore_mem>>) src(%dma_wait3A_137 : memref<128x32xf32, #tpu.memory_space<vmem>>) dst(%dma_wait3A_133 : memref<128x32xf32, #tpu.memory_space<hbm>>)
    %dma_wait3A_138 = arith.constant 1 : i32
    %dma_wait3A_139 = arith.constant 0 : i32
    %dma_wait3A_140 = arith.constant 0 : i32
    %dma_wait3A_141 = tpu.memref_slice %arg10[%dma_wait3A_138, %dma_wait3A_139, %dma_wait3A_140] : memref<4x128x64xf32, #tpu.memory_space<vmem>> -> memref<1x128x64xf32, #tpu.memory_space<vmem>>
    %dma_wait3A_142 = tpu.memref_squeeze %dma_wait3A_141 : memref<1x128x64xf32, #tpu.memory_space<vmem>> -> memref<128x64xf32, #tpu.memory_space<vmem>>
    %dma_wait3A_143 = arith.constant 0 : i32
    %dma_wait3A_144 = arith.constant 32 : i32
    %dma_wait3A_145 = tpu.memref_slice %arg6[%dma_wait3A_143, %dma_wait3A_144] : memref<819200x128xf32, #tpu.memory_space<hbm>> -> memref<128x64xf32, #tpu.memory_space<hbm>>
    %dma_wait3A_146 = arith.constant 0 : i32
    %dma_wait3A_147 = arith.constant 32 : i32
    %dma_wait3A_148 = tpu.memref_slice %arg6[%dma_wait3A_146, %dma_wait3A_147] : memref<819200x128xf32, #tpu.memory_space<hbm>> -> memref<128x64xf32, #tpu.memory_space<hbm>>
    %dma_wait3A_149 = arith.constant 0 : i32
    %dma_wait3A_150 = arith.constant 0 : i32
    %dma_wait3A_151 = tpu.memref_slice %arg10[%dma_wait3A_138, %dma_wait3A_149, %dma_wait3A_150] : memref<4x128x64xf32, #tpu.memory_space<vmem>> -> memref<1x128x64xf32, #tpu.memory_space<vmem>>
    %dma_wait3A_152 = tpu.memref_squeeze %dma_wait3A_151 : memref<1x128x64xf32, #tpu.memory_space<vmem>> -> memref<128x64xf32, #tpu.memory_space<vmem>>
    tpu.wait_dma2 semaphore(%arg17 : memref<!tpu.dma_semaphore, #tpu.memory_space<semaphore_mem>>) src(%dma_wait3A_152 : memref<128x64xf32, #tpu.memory_space<vmem>>) dst(%dma_wait3A_148 : memref<128x64xf32, #tpu.memory_space<hbm>>)
    %dma_wait3A_153 = arith.constant 2 : i32
    %dma_wait3A_154 = arith.constant 0 : i32
    %dma_wait3A_155 = arith.constant 0 : i32
    %dma_wait3A_156 = tpu.memref_slice %arg9[%dma_wait3A_153, %dma_wait3A_154, %dma_wait3A_155] : memref<4x128x32xf32, #tpu.memory_space<vmem>> -> memref<1x128x32xf32, #tpu.memory_space<vmem>>
    %dma_wait3A_157 = tpu.memref_squeeze %dma_wait3A_156 : memref<1x128x32xf32, #tpu.memory_space<vmem>> -> memref<128x32xf32, #tpu.memory_space<vmem>>
    %dma_wait3A_158 = arith.constant 0 : i32
    %dma_wait3A_159 = arith.constant 0 : i32
    %dma_wait3A_160 = tpu.memref_slice %arg6[%dma_wait3A_158, %dma_wait3A_159] : memref<819200x128xf32, #tpu.memory_space<hbm>> -> memref<128x32xf32, #tpu.memory_space<hbm>>
    %dma_wait3A_161 = arith.constant 0 : i32
    %dma_wait3A_162 = arith.constant 0 : i32
    %dma_wait3A_163 = tpu.memref_slice %arg6[%dma_wait3A_161, %dma_wait3A_162] : memref<819200x128xf32, #tpu.memory_space<hbm>> -> memref<128x32xf32, #tpu.memory_space<hbm>>
    %dma_wait3A_164 = arith.constant 0 : i32
    %dma_wait3A_165 = arith.constant 0 : i32
    %dma_wait3A_166 = tpu.memref_slice %arg9[%dma_wait3A_153, %dma_wait3A_164, %dma_wait3A_165] : memref<4x128x32xf32, #tpu.memory_space<vmem>> -> memref<1x128x32xf32, #tpu.memory_space<vmem>>
    %dma_wait3A_167 = tpu.memref_squeeze %dma_wait3A_166 : memref<1x128x32xf32, #tpu.memory_space<vmem>> -> memref<128x32xf32, #tpu.memory_space<vmem>>
    tpu.wait_dma2 semaphore(%arg18 : memref<!tpu.dma_semaphore, #tpu.memory_space<semaphore_mem>>) src(%dma_wait3A_167 : memref<128x32xf32, #tpu.memory_space<vmem>>) dst(%dma_wait3A_163 : memref<128x32xf32, #tpu.memory_space<hbm>>)
    %dma_wait3A_168 = arith.constant 2 : i32
    %dma_wait3A_169 = arith.constant 0 : i32
    %dma_wait3A_170 = arith.constant 0 : i32
    %dma_wait3A_171 = tpu.memref_slice %arg10[%dma_wait3A_168, %dma_wait3A_169, %dma_wait3A_170] : memref<4x128x64xf32, #tpu.memory_space<vmem>> -> memref<1x128x64xf32, #tpu.memory_space<vmem>>
    %dma_wait3A_172 = tpu.memref_squeeze %dma_wait3A_171 : memref<1x128x64xf32, #tpu.memory_space<vmem>> -> memref<128x64xf32, #tpu.memory_space<vmem>>
    %dma_wait3A_173 = arith.constant 0 : i32
    %dma_wait3A_174 = arith.constant 32 : i32
    %dma_wait3A_175 = tpu.memref_slice %arg6[%dma_wait3A_173, %dma_wait3A_174] : memref<819200x128xf32, #tpu.memory_space<hbm>> -> memref<128x64xf32, #tpu.memory_space<hbm>>
    %dma_wait3A_176 = arith.constant 0 : i32
    %dma_wait3A_177 = arith.constant 32 : i32
    %dma_wait3A_178 = tpu.memref_slice %arg6[%dma_wait3A_176, %dma_wait3A_177] : memref<819200x128xf32, #tpu.memory_space<hbm>> -> memref<128x64xf32, #tpu.memory_space<hbm>>
    %dma_wait3A_179 = arith.constant 0 : i32
    %dma_wait3A_180 = arith.constant 0 : i32
    %dma_wait3A_181 = tpu.memref_slice %arg10[%dma_wait3A_168, %dma_wait3A_179, %dma_wait3A_180] : memref<4x128x64xf32, #tpu.memory_space<vmem>> -> memref<1x128x64xf32, #tpu.memory_space<vmem>>
    %dma_wait3A_182 = tpu.memref_squeeze %dma_wait3A_181 : memref<1x128x64xf32, #tpu.memory_space<vmem>> -> memref<128x64xf32, #tpu.memory_space<vmem>>
    tpu.wait_dma2 semaphore(%arg18 : memref<!tpu.dma_semaphore, #tpu.memory_space<semaphore_mem>>) src(%dma_wait3A_182 : memref<128x64xf32, #tpu.memory_space<vmem>>) dst(%dma_wait3A_178 : memref<128x64xf32, #tpu.memory_space<hbm>>)
    %dma_wait3A_183 = arith.constant 3 : i32
    %dma_wait3A_184 = arith.constant 0 : i32
    %dma_wait3A_185 = arith.constant 0 : i32
    %dma_wait3A_186 = tpu.memref_slice %arg9[%dma_wait3A_183, %dma_wait3A_184, %dma_wait3A_185] : memref<4x128x32xf32, #tpu.memory_space<vmem>> -> memref<1x128x32xf32, #tpu.memory_space<vmem>>
    %dma_wait3A_187 = tpu.memref_squeeze %dma_wait3A_186 : memref<1x128x32xf32, #tpu.memory_space<vmem>> -> memref<128x32xf32, #tpu.memory_space<vmem>>
    %dma_wait3A_188 = arith.constant 0 : i32
    %dma_wait3A_189 = arith.constant 0 : i32
    %dma_wait3A_190 = tpu.memref_slice %arg6[%dma_wait3A_188, %dma_wait3A_189] : memref<819200x128xf32, #tpu.memory_space<hbm>> -> memref<128x32xf32, #tpu.memory_space<hbm>>
    %dma_wait3A_191 = arith.constant 0 : i32
    %dma_wait3A_192 = arith.constant 0 : i32
    %dma_wait3A_193 = tpu.memref_slice %arg6[%dma_wait3A_191, %dma_wait3A_192] : memref<819200x128xf32, #tpu.memory_space<hbm>> -> memref<128x32xf32, #tpu.memory_space<hbm>>
    %dma_wait3A_194 = arith.constant 0 : i32
    %dma_wait3A_195 = arith.constant 0 : i32
    %dma_wait3A_196 = tpu.memref_slice %arg9[%dma_wait3A_183, %dma_wait3A_194, %dma_wait3A_195] : memref<4x128x32xf32, #tpu.memory_space<vmem>> -> memref<1x128x32xf32, #tpu.memory_space<vmem>>
    %dma_wait3A_197 = tpu.memref_squeeze %dma_wait3A_196 : memref<1x128x32xf32, #tpu.memory_space<vmem>> -> memref<128x32xf32, #tpu.memory_space<vmem>>
    tpu.wait_dma2 semaphore(%arg19 : memref<!tpu.dma_semaphore, #tpu.memory_space<semaphore_mem>>) src(%dma_wait3A_197 : memref<128x32xf32, #tpu.memory_space<vmem>>) dst(%dma_wait3A_193 : memref<128x32xf32, #tpu.memory_space<hbm>>)
    %dma_wait3A_198 = arith.constant 3 : i32
    %dma_wait3A_199 = arith.constant 0 : i32
    %dma_wait3A_200 = arith.constant 0 : i32
    %dma_wait3A_201 = tpu.memref_slice %arg10[%dma_wait3A_198, %dma_wait3A_199, %dma_wait3A_200] : memref<4x128x64xf32, #tpu.memory_space<vmem>> -> memref<1x128x64xf32, #tpu.memory_space<vmem>>
    %dma_wait3A_202 = tpu.memref_squeeze %dma_wait3A_201 : memref<1x128x64xf32, #tpu.memory_space<vmem>> -> memref<128x64xf32, #tpu.memory_space<vmem>>
    %dma_wait3A_203 = arith.constant 0 : i32
    %dma_wait3A_204 = arith.constant 32 : i32
    %dma_wait3A_205 = tpu.memref_slice %arg6[%dma_wait3A_203, %dma_wait3A_204] : memref<819200x128xf32, #tpu.memory_space<hbm>> -> memref<128x64xf32, #tpu.memory_space<hbm>>
    %dma_wait3A_206 = arith.constant 0 : i32
    %dma_wait3A_207 = arith.constant 32 : i32
    %dma_wait3A_208 = tpu.memref_slice %arg6[%dma_wait3A_206, %dma_wait3A_207] : memref<819200x128xf32, #tpu.memory_space<hbm>> -> memref<128x64xf32, #tpu.memory_space<hbm>>
    %dma_wait3A_209 = arith.constant 0 : i32
    %dma_wait3A_210 = arith.constant 0 : i32
    %dma_wait3A_211 = tpu.memref_slice %arg10[%dma_wait3A_198, %dma_wait3A_209, %dma_wait3A_210] : memref<4x128x64xf32, #tpu.memory_space<vmem>> -> memref<1x128x64xf32, #tpu.memory_space<vmem>>
    %dma_wait3A_212 = tpu.memref_squeeze %dma_wait3A_211 : memref<1x128x64xf32, #tpu.memory_space<vmem>> -> memref<128x64xf32, #tpu.memory_space<vmem>>
    tpu.wait_dma2 semaphore(%arg19 : memref<!tpu.dma_semaphore, #tpu.memory_space<semaphore_mem>>) src(%dma_wait3A_212 : memref<128x64xf32, #tpu.memory_space<vmem>>) dst(%dma_wait3A_208 : memref<128x64xf32, #tpu.memory_space<hbm>>)
    "tpu.trace_stop"() : () -> ()
    return
  }
}

</mosaic_0001>

<sc_bundles>
// kernel: kernel.3.cloned.1.call-start
scs
__scs_entry_jumppad:
0x0: {  	(pc) =	sbr.rel $0x88, $3  }
0x1: {  	(tag) =	ssettag $0x0;
	lr =	simm.s32 $0x1  }
0x2: {  	[smem:$0x3F9B] =	sst lr;
	_ =	strace $0xD0000000  }
0x3: {  	_ = 	snop  }
0x4: {  	_ = 	snop  }
0x5: {  	_ = 	snop  }
0x6: {  	_ = 	snop  }
0x7: {  	_ = 	snop  }
__scs_overlays_trampoline_lowered:
0x8: {  	[smem:$0x3FAA] =	sst s0  }
0x9: {  	[smem:$0x3FAB] =	sst s1  }
0xa: {  	[smem:$0x3FAC] =	sst s2  }
0xb: {  	[smem:$0x3FAD] =	sst s3  }
0xc: {  	[smem:$0x3FAE] =	sst s4  }
0xd: {  	[smem:$0x3FAF] =	sst s5  }
0xe: {  	[smem:$0x3FB0] =	sst s6  }
0xf: {  	[smem:$0x3FB1] =	sst s7  }
0x10: {  	[smem:$0x3FB2] =	sst s8  }
0x11: {  	[smem:$0x3FB3] =	sst s9;
	s0 =	simm.s32 @!p0 $0x0  }
0x12: {  	s1 =	sld [smem:$0x3F99];
	s0 =	simm.s32 @p0 $0x1  }
0x13: {  	[smem:$0x3FB4] =	sst s0;
	s0 =	simm.s32 @!p1 $0x0  }
0x14: {  	s2 =	sld [smem:$0x3F98];
	s0 =	simm.s32 @p1 $0x1  }
0x15: {  	[smem:$0x3FB5] =	sst s0;
	s0 =	simm.s32 @!p2 $0x0  }
0x16: {  	s3 =	sld [smem:$0x3FDB];
	s0 =	simm.s32 @p2 $0x1  }
0x17: {  	s4 =	simm.s32 $0x1BF5;
	[smem:$0x3FB7] =	sst s0  }
0x18: {  	s0 =	sld [smem:$0x3F9A];
	_ =	swait.ge [sflag:s4], $0x0  }
0x19: {  	s7 =	sld [smem:$0x3F9B]  }
0x1a: {  	s8 =	sadd.s32 $0xFFFFE003, lr  }
0x1b: {  	s9 =	sadd.s32 $0xFFFFFEF7, lr;
	s5 =	simm.s32 $0xFFFFFFFF;
	p2 =	slt.u32 s8, $0xFFFFF086  }
0x1c: {  	p1 =	slt.u32 s9, $0xF7A;
	s5 =	simm.s32 @!p2 $0x0  }
0x1d: {  	s5 =	simm.s32 @p1 $0x1;
	p0 =	seq.s32 s7, s2  }
0x1e: {  	s7 =	smul.u32 @!p0 $0xF7A, s2;
	p2 =	seq.s32 @!p0 s5, $0x0  }
0x1f: {  	s9 =	smul.u32 $0xF7A, s1;
	s8 =	simm.s32 @!p0 $0x1BF5;
	p2 =	por !p2, p0  }
0x20: {  	[sflag:s8] =	ssyncset.s32 @!p0 $0xFFFFF086;
	s6 =	sadd.s32 @!p0 s3, s7;
	s7 =	simm.s32 @!p0 $0x108  }
0x21: {  	s3 =	sadd.s32 s3, s9;
	s6 =	sadd.s32 @!p0 $0x88, s6;
	s7 =	simm.s32 @p2 $0x1082  }
0x22: {  	[simem:s7], [sflag:s8] =	dma.local @!p0 [hbm:s6], $0xF7A  }
0x23: {  	s9 =	sor.u32 $0xD0000000, s2;
	s6 =	simm.s32 $0x108;
	_ =	swait.ge @!p0 [sflag:s8], $0x0  }
0x24: {  	s3 =	sadd.s32 $0x88, s3;
	s6 =	simm.s32 @!p1 $0x1082;
	[sflag:s4] =	ssyncset.s32 $0xFFFFF086  }
0x25: {  	[simem:s6], [sflag:s4] =	dma.local [hbm:s3], $0xF7A  }
0x26: {  	[smem:$0x3F9B] =	sst s1;
	(tag) =	ssettag s2;
	_ =	strace s9  }
0x27: {  	s1 =	sld [smem:$0x3FAB]  }
0x28: {  	s2 =	sld [smem:$0x3FAC]  }
0x29: {  	s4 =	sld [smem:$0x3FAE]  }
0x2a: {  	p0 =	seq.s32 s5, $0x0;
	s5 =	sld [smem:$0x3FAF]  }
0x2b: {  	s6 =	sld [smem:$0x3FB0]  }
0x2c: {  	s7 =	sld [smem:$0x3FB1]  }
0x2d: {  	s3 =	simm.s32 $0x108;
	s8 =	sld [smem:$0x3FB2]  }
0x2e: {  	s3 =	simm.s32 @!p0 $0x1082;
	s9 =	sld [smem:$0x3FB3]  }
0x2f: {  	lr =	sadd.s32 s0, s3;
	s0 =	sld [smem:$0x3FAA]  }
0x30: {  	s3 =	sld [smem:$0x3FAD]  }
0x31: {  	[smem:$0x3FB6] =	sst s10  }
0x32: {  	s10 =	sld [smem:$0x3FB4];
	_ =	sdelay $0x3  }
0x33: {  	p0 =	seq.s32 s10, $0x1;
	s10 =	sld [smem:$0x3FB6];
	_ =	sdelay $0x3  }
0x34: {  	[smem:$0x3FB6] =	sst s10  }
0x35: {  	s10 =	sld [smem:$0x3FB5];
	_ =	sdelay $0x3  }
0x36: {  	p1 =	seq.s32 s10, $0x1;
	s10 =	sld [smem:$0x3FB6];
	_ =	sdelay $0x3  }
0x37: {  	[smem:$0x3FB6] =	sst s10  }
0x38: {  	s10 =	sld [smem:$0x3FB7]  }
0x39: {  	_ = 	snop;
	(pc) =	sbr.ind lr, $3  }
0x3a: {  	_ = 	snop  }
0x3b: {  	_ = 	snop  }
0x3c: {  	p2 =	seq.s32 s10, $0x1;
	s10 =	sld [smem:$0x3FB6]  }
0x3d: {  	_ =	shalt  }
0x3e: {  	_ =	shalt  }
0x3f: {  	_ =	shalt  }
0x40: {  	_ =	shalt  }
0x41: {  	_ =	shalt  }
0x42: {  	_ =	shalt  }
0x43: {  	_ =	shalt  }
0x44: {  	_ =	shalt  }
0x45: {  	_ =	shalt  }
0x46: {  	_ =	shalt  }
0x47: {  	_ =	shalt  }
0x48: {  	_ =	shalt  }
0x49: {  	_ =	shalt  }
0x4a: {  	_ =	shalt  }
0x4b: {  	_ =	shalt  }
0x4c: {  	_ =	shalt  }
0x4d: {  	_ =	shalt  }
0x4e: {  	_ =	shalt  }
0x4f: {  	_ =	shalt  }
0x50: {  	_ =	shalt  }
0x51: {  	_ =	shalt  }
0x52: {  	_ =	shalt  }
0x53: {  	_ =	shalt  }
0x54: {  	_ =	shalt  }
0x55: {  	_ =	shalt  }
0x56: {  	_ =	shalt  }
0x57: {  	_ =	shalt  }
0x58: {  	_ =	shalt  }
0x59: {  	_ =	shalt  }
0x5a: {  	_ =	shalt  }
0x5b: {  	_ =	shalt  }
0x5c: {  	_ =	shalt  }
0x5d: {  	_ =	shalt  }
0x5e: {  	_ =	shalt  }
0x5f: {  	_ =	shalt  }
0x60: {  	_ =	shalt  }
0x61: {  	_ =	shalt  }
0x62: {  	_ =	shalt  }
0x63: {  	_ =	shalt  }
0x64: {  	_ =	shalt  }
0x65: {  	_ =	shalt  }
0x66: {  	_ =	shalt  }
0x67: {  	_ =	shalt  }
0x68: {  	_ =	shalt  }
0x69: {  	_ =	shalt  }
0x6a: {  	_ =	shalt  }
0x6b: {  	_ =	shalt  }
0x6c: {  	_ =	shalt  }
0x6d: {  	_ =	shalt  }
0x6e: {  	_ =	shalt  }
0x6f: {  	_ =	shalt  }
0x70: {  	_ =	shalt  }
0x71: {  	_ =	shalt  }
0x72: {  	_ =	shalt  }
0x73: {  	_ =	shalt  }
0x74: {  	_ =	shalt  }
0x75: {  	_ =	shalt  }
0x76: {  	_ =	shalt  }
0x77: {  	_ =	shalt  }
0x78: {  	_ =	shalt  }
0x79: {  	_ =	shalt  }
0x7a: {  	_ =	shalt  }
0x7b: {  	_ =	shalt  }
0x7c: {  	_ =	shalt  }
0x7d: {  	_ =	shalt  }
0x7e: {  	_ =	shalt  }
0x7f: {  	_ =	shalt  }
0x80: {  	_ =	shalt  }
0x81: {  	_ =	shalt  }
0x82: {  	_ =	shalt  }
0x83: {  	_ =	shalt  }
0x84: {  	_ =	shalt  }
0x85: {  	_ =	shalt  }
0x86: {  	_ =	shalt  }
0x87: {  	_ =	shalt  }
.Lfunc_end0:
.L_simem_size_0:
called_computation.1_lowered:
.L_overlay_start_0:
0x88: {  	s2 =	sld [smem:$0x3FD9]  }
0x89: {  	s3 =	sld [smem:$0x3FFE];
	_ =	sdelay $0x1  }
0x8a: {  	s1 =	srdreg.scid  }
0x8b: {  	s0 =	sand.u32 $0x1, s1  }
0x8c: {  	s17 =	sshll.u32 s0, $0xA;
	s2 =	sadd.s32 s3, s2  }
0x8d: {  	s2 =	sadd.s32 s2, s17  }
0x8e: {  	[smem:$0x3FC2] =	sst s2  }
0x8f: {  	_ = 	snop  }
0x90: {  	s2 =	sld [smem:$0x3FD0];
	(tm) =	ssettm $0x1  }
0x91: {  	s18 =	sld [smem:$0x3FFB];
	_ =	sdelay $0x3  }
0x92: {  	_ =	strace s18  }
0x93: {  	s3 =	sld [smem:$0x3FFC];
	_ =	sdelay $0x3  }
0x94: {  	_ =	strace s3  }
0x95: {  	s3 =	sld [smem:$0x3FFD];
	_ =	sdelay $0x3  }
0x96: {  	_ =	strace s3  }
0x97: {  	_ =	strace $0x8FFFFFFF  }
0x98: {  	s19 =	sld [smem:$0x3FDB];
	_ =	sdelay $0x1  }
0x99: {  	s4 =	simm.s32 $_scs_section_size  }
0x9a: {  	s5 =	simm.s32 $_size__tile_overlayer_lowered;
	s6 =	simm.s32 $_tile_overlayer_lowered  }
0x9b: {  	s22 =	simm.s32 $0x1BFF;
	s21 =	sshll.u32 s6, $0x1;
	s3 =	sadd.s32 s4, s19  }
0x9c: {  	s7 =	simm.s32 $0x0;
	s20 =	sshll.u32 s5, $0x1;
	s5 =	sadd.s32 s21, s3  }
0x9d: {  	[timem:s7], [sflag:s22] =	dma.local [hbm:s5], s20  }
0x9e: {  	_ =	swait.ge [sflag:s22], s20  }
0x9f: {  	s4 =	ssub.s32 $0x0, s20;
	[sflag:s22] =	ssyncset.done $0x0  }
0xa0: {  	[sflag:s22] =	ssyncadd.s32 s4;
	_ =	sdelay $0x1  }
0xa1: {  	s23 =	simm.s32 $0x1B8B  }
0xa2: {  	_ =	swait.ge [sflag:s23], $0x1  }
0xa3: {  	[sflag:s23] =	ssyncset.done $0x0  }
0xa4: {  	s25 =	simm.s32 $0x1B8E;
	s24 =	sld [smem:$0x3FFE];
	[sflag:s23] =	ssyncadd.s32 $0xFFFFFFFF  }
0xa5: {  	s26 =	simm.s32 $execute0_lowered;
	[smem:$0x3FD2] =	sst s25  }
0xa6: {  	s5 =	sshll.u32 s26, $0x1;
	_ =	strace $0x80000046;
	[dreg:$0x1] =	wrdreg $0xFFFFFFFF  }
0xa7: {  	s28 =	simm.s32 $_size_execute0_lowered;
	s3 =	sadd.s32 s3, s5;
	[dreg:$0x0] =	wrdreg $0x0  }
0xa8: {  	s5 =	sshll.u32 s28, $0x1;
	[dreg:$0x2] =	wrdreg s3  }
0xa9: {  	[dreg:$0x3] =	wrdreg s5  }
0xaa: {  	[dreg:$0x4] =	wrdreg $0xC0  }
0xab: {  	_ =	task [dreg:s7], $0x5FFFF  }
0xac: {  	[dreg:$0x1] =	wrdreg $0xFFFFFFFF  }
0xad: {  	[dreg:$0x0] =	wrdreg $0x60  }
0xae: {  	[dreg:$0x2] =	wrdreg s24  }
0xaf: {  	[dreg:$0x3] =	wrdreg s2  }
0xb0: {  	[dreg:$0x4] =	wrdreg $0x9  }
0xb1: {  	_ =	task.clear_ibuf [dreg:s7], $0x5FFFF;
	_ =	strace $0x90000046  }
0xb2: {  	s29 =	simm.s32 $0x9;
	_ =	strace $0x8000004B  }
0xb3: {  	_ =	swait.ge [sflag:s29], $0x1  }
0xb4: {  	[sflag:s29] =	ssyncadd.s32 $0xFFFFFFFF  }
0xb5: {  	_ =	strace $0x9000004B  }
0xb6: {  	_ =	sfence  }
0xb7: {  	s30 =	sld [smem:$0x0];
	_ =	sdelay $0x2  }
0xb8: {  	s31 =	sshll.u32 s1, $0xD;
	s1 =	sshrl.u32 s1, $0x2  }
0xb9: {  	s3 =	sand.u32 $0x4000, s31;
	s1 =	sadd.s32 s1, s30  }
0xba: {  	s0 =	sor.u32 s3, s0;
	s1 =	sshll.u32 s1, $0x11  }
0xbb: {  	s0 =	sor.u32 s1, s0  }
0xbc: {  	s0 =	sadd.s32 $0x8F2B, s0  }
0xbd: {  	[sflag:s0] =	ssyncadd.remote.s32 $0x1  }
0xbe: {  	_ =	sfence.sel $0xFFFF  }
0xbf: {  	[dreg:$0x0] =	wrdreg $0xFFFFFFFF;
	(pc) =	sbr.abs _section_cstart, $3  }
0xc0: {  	[dreg:$0x1] =	wrdreg $0xFFFFFFFF  }
0xc1: {  	_ =	task.clear_ibuf [dreg:s7], $0x2FFFF;
	_ =	strace $0x9FFFFFFF  }
0xc2: {  	(tm) =	ssettm $0x7FFFFFFF  }
0xc3: {  	_ =	shalt  }
tec
execute0_lowered:
.L_overlay_start_1:
0x0: {  	(tag) =	ssettag $0x1  }
0x1: {  	s0 =	rddreg [dreg:$0x0];
	s1 =	srdreg.scid  }
0x2: {  	s4 =	stileid.u32;
	s2 =	rddreg [dreg:$0x1]  }
0x3: {  	s5 =	simm.s32 $0x0;
	s10 =	simm.s32 $0x80;
	s28 =	simm.s32 $0x10800  }
0x4: {  	s29 =	simm.s32 $0xD800;
	s30 =	simm.s32 $0x12800;
	s31 =	simm.s32 $0xE800  }
0x5: {  	s11 =	simm.s32 $0x16800;
	s12 =	simm.s32 $0x2;
	s13 =	simm.s32 $0x20  }
0x6: {  	s14 =	simm.s32 $0x40;
	s15 =	simm.s32 $0x3;
	s16 =	simm.s32 $0x4  }
0x7: {  	s17 =	simm.s32 $0x5;
	s19 =	simm.s32 $0x7;
	s20 =	simm.s32 $0x8  }
0x8: {  	s21 =	simm.s32 $0x9;
	s22 =	simm.s32 $0x0;
	s1 =	sand.u32 $0x1, s1  }
0x9: {  	s3 =	sshll.u32 s4, $0x1;
	[smem:$0x7FF] =	sst s5;
	s25 =	smul.u32 $0xC8000, s4  }
0xa: {  	s4 =	sadd.s32 $0x7BA00, s0;
	s5 =	sadd.s32 $0x19E00, s0;
	s3 =	sor.u32 s1, s3  }
0xb: {  	_ =	strace $0x80000047;
	s6 =	ssub.s32 $0x2, s1;
	s1 =	smul.u32 $0x64000, s1  }
0xc: {  	s3 =	smul.u32 $0xC80, s3;
	s7 =	sadd.s32 s25, s0;
	s8 =	sshrl.u32 s6, $0x1  }
0xd: {  	s25 =	simm.s32 $0x1;
	s26 =	ssub.s32 s6, s8;
	s1 =	sadd.s32 s1, s7  }
0xe: {  	s3 =	sadd.s32 s3, s0;
	s0 =	smax.u32 s26, $0x1;
	s6 =	sadd.s32 $0xDEE04, s1  }
0xf: {  	s26 =	simm.s32 $0xC800;
	s3 =	sadd.s32 $0xE00, s3;
	[dreg:$0x4] =	wrdreg s0  }
0x10: {  	s1 =	simm.s32 $0x14800;
	s0 =	simm.s32 $0xF800;
	[dreg:$0x3] =	wrdreg s3  }
.LBB2_1:
0x11: {  	_ =	strace $0x80000048  }
0x12: {  	s3 =	simm.s32 $0x0;
	s23 =	simm.s32 $0xA;
	s7 =	rddreg [dreg:$0x3]  }
0x13: {  	[tilespmem:s3], [sflag:$0xA] =	stream.linear.gather [hbm4b:s7+s3], $0x6400, $0x200038;
	[tilespmem:$0x18800] =	vst v63  }
0x14: {  	_ =	swait.ge [sflag:s23], $0x6400  }
0x15: {  	[sflag:s23] =	ssyncset.done $0x0  }
0x16: {  	[sflag:s23] =	ssyncadd.s32 $0xFFFF9C00  }
0x17: {  	_ =	strace $0x90000048  }
0x18: {  	s24 =	simm.s32 $0x6400;
	_ =	strace $0x80000049  }
0x19: {  	[tilespmem:s24], [sflag:$0x1] =	stream.indirect.gather [hbm4b:s2+s10], $0x1, s3, s10, $0x2000b8;
	[tilespmem:$0x18800] =	vst v63  }
0x1a: {  	s8 =	simm.s32 $0x6480  }
0x1b: {  	[tilespmem:s8], [sflag:$0x1] =	stream.indirect.gather [hbm4b:s2+s10], $0x1, s10, s10, $0x2000b8;
	[tilespmem:$0x18800] =	vst v63  }
0x1c: {  	s9 =	simm.s32 $0x100;
	s18 =	simm.s32 $0x6500  }
0x1d: {  	[tilespmem:s18], [sflag:$0x1] =	stream.indirect.gather [hbm4b:s2+s10], $0x1, s9, s10, $0x2000b8;
	[tilespmem:$0x18800] =	vst v63  }
0x1e: {  	s23 =	simm.s32 $0x180;
	s24 =	simm.s32 $0x6580  }
0x1f: {  	[tilespmem:s24], [sflag:$0x1] =	stream.indirect.gather [hbm4b:s2+s10], $0x1, s23, s10, $0x2000b8;
	[tilespmem:$0x18800] =	vst v63  }
0x20: {  	s7 =	simm.s32 $0x200;
	s8 =	simm.s32 $0x6600  }
0x21: {  	[tilespmem:s8], [sflag:$0x1] =	stream.indirect.gather [hbm4b:s2+s10], $0x1, s7, s10, $0x2000b8;
	[tilespmem:$0x18800] =	vst v63  }
0x22: {  	s9 =	simm.s32 $0x280;
	s18 =	simm.s32 $0x6680  }
0x23: {  	[tilespmem:s18], [sflag:$0x1] =	stream.indirect.gather [hbm4b:s2+s10], $0x1, s9, s10, $0x2000b8;
	[tilespmem:$0x18800] =	vst v63  }
0x24: {  	s23 =	simm.s32 $0x300;
	s24 =	simm.s32 $0x6700  }
0x25: {  	[tilespmem:s24], [sflag:$0x1] =	stream.indirect.gather [hbm4b:s2+s10], $0x1, s23, s10, $0x2000b8;
	[tilespmem:$0x18800] =	vst v63  }
0x26: {  	s7 =	simm.s32 $0x380;
	s8 =	simm.s32 $0x6780  }
0x27: {  	[tilespmem:s8], [sflag:$0x1] =	stream.indirect.gather [hbm4b:s2+s10], $0x1, s7, s10, $0x2000b8;
	[tilespmem:$0x18800] =	vst v63  }
0x28: {  	s9 =	simm.s32 $0x6800;
	s18 =	simm.s32 $0x400  }
0x29: {  	[tilespmem:s9], [sflag:$0x1] =	stream.indirect.gather [hbm4b:s2+s10], $0x1, s18, s10, $0x2000b8;
	[tilespmem:$0x18800] =	vst v63  }
0x2a: {  	s23 =	simm.s32 $0x6880;
	s24 =	simm.s32 $0x480  }
0x2b: {  	[tilespmem:s23], [sflag:$0x1] =	stream.indirect.gather [hbm4b:s2+s10], $0x1, s24, s10, $0x2000b8;
	[tilespmem:$0x18800] =	vst v63  }
0x2c: {  	s7 =	simm.s32 $0x6900;
	s8 =	simm.s32 $0x500  }
0x2d: {  	[tilespmem:s7], [sflag:$0x1] =	stream.indirect.gather [hbm4b:s2+s10], $0x1, s8, s10, $0x2000b8;
	[tilespmem:$0x18800] =	vst v63  }
0x2e: {  	s9 =	simm.s32 $0x6980;
	s18 =	simm.s32 $0x580  }
0x2f: {  	[tilespmem:s9], [sflag:$0x1] =	stream.indirect.gather [hbm4b:s2+s10], $0x1, s18, s10, $0x2000b8;
	[tilespmem:$0x18800] =	vst v63  }
0x30: {  	s23 =	simm.s32 $0x6A00;
	s24 =	simm.s32 $0x600  }
0x31: {  	[tilespmem:s23], [sflag:$0x1] =	stream.indirect.gather [hbm4b:s2+s10], $0x1, s24, s10, $0x2000b8;
	[tilespmem:$0x18800] =	vst v63  }
0x32: {  	s7 =	simm.s32 $0x6A80;
	s8 =	simm.s32 $0x680  }
0x33: {  	[tilespmem:s7], [sflag:$0x1] =	stream.indirect.gather [hbm4b:s2+s10], $0x1, s8, s10, $0x2000b8;
	[tilespmem:$0x18800] =	vst v63  }
0x34: {  	s9 =	simm.s32 $0x6B00;
	s18 =	simm.s32 $0x700  }
0x35: {  	[tilespmem:s9], [sflag:$0x1] =	stream.indirect.gather [hbm4b:s2+s10], $0x1, s18, s10, $0x2000b8;
	[tilespmem:$0x18800] =	vst v63  }
0x36: {  	s23 =	simm.s32 $0x6B80;
	s24 =	simm.s32 $0x780  }
0x37: {  	[tilespmem:s23], [sflag:$0x1] =	stream.indirect.gather [hbm4b:s2+s10], $0x1, s24, s10, $0x2000b8;
	[tilespmem:$0x18800] =	vst v63  }
0x38: {  	_ =	swait.ge [sflag:s25], $0x80  }
0x39: {  	[sflag:s25] =	ssyncset.done $0x0  }
0x3a: {  	[sflag:s25] =	ssyncadd.s32 $0xFFFFFF80  }
0x3b: {  	_ =	swait.ge [sflag:s25], $0x80  }
0x3c: {  	[sflag:s25] =	ssyncset.done $0x0  }
0x3d: {  	[sflag:s25] =	ssyncadd.s32 $0xFFFFFF80  }
0x3e: {  	_ =	swait.ge [sflag:s25], $0x80  }
0x3f: {  	[sflag:s25] =	ssyncset.done $0x0  }
0x40: {  	[sflag:s25] =	ssyncadd.s32 $0xFFFFFF80  }
0x41: {  	_ =	swait.ge [sflag:s25], $0x80  }
0x42: {  	[sflag:s25] =	ssyncset.done $0x0  }
0x43: {  	[sflag:s25] =	ssyncadd.s32 $0xFFFFFF80  }
0x44: {  	_ =	swait.ge [sflag:s25], $0x80  }
0x45: {  	[sflag:s25] =	ssyncset.done $0x0  }
0x46: {  	[sflag:s25] =	ssyncadd.s32 $0xFFFFFF80  }
0x47: {  	_ =	swait.ge [sflag:s25], $0x80  }
0x48: {  	[sflag:s25] =	ssyncset.done $0x0  }
0x49: {  	[sflag:s25] =	ssyncadd.s32 $0xFFFFFF80  }
0x4a: {  	_ =	swait.ge [sflag:s25], $0x80  }
0x4b: {  	[sflag:s25] =	ssyncset.done $0x0  }
0x4c: {  	[sflag:s25] =	ssyncadd.s32 $0xFFFFFF80  }
0x4d: {  	_ =	swait.ge [sflag:s25], $0x80  }
0x4e: {  	s7 =	simm.s32 $0x2000;
	s23 =	simm.s32 $0x400;
	[sflag:s25] =	ssyncset.done $0x0  }
.LBB2_2:
0x4f: {  	s8 =	sadd.s32 $0x6800, s23  }
0x50: {  	s24 =	sadd.s32 $0x400, s23;
	[sflag:s25] =	ssyncadd.s32 $0xFFFFFF80;
	s3 =	smov.u32 s7  }
0x51: {  	[tilespmem:s8], [sflag:$0x1] =	stream.indirect.gather [hbm4b:s2+s10], $0x1, s24, s10, $0x2000b8;
	[tilespmem:$0x18800] =	vst v63  }
0x52: {  	s9 =	sadd.s32 $0x480, s23;
	s8 =	sadd.s32 $0x1000, s7;
	s24 =	sadd.s32 $0x6880, s23  }
0x53: {  	[tilespmem:s24], [sflag:$0x1] =	stream.indirect.gather [hbm4b:s2+s10], $0x1, s9, s10, $0x2000b8;
	[tilespmem:$0x18800] =	vst v63  }
0x54: {  	p0 =	sne.s32 s7, $0x17000;
	s7 =	sadd.s32 $0x6900, s23;
	s9 =	sadd.s32 $0x500, s23  }
0x55: {  	[tilespmem:s7], [sflag:$0x1] =	stream.indirect.gather [hbm4b:s2+s10], $0x1, s9, s10, $0x2000b8;
	[tilespmem:$0x18800] =	vst v63  }
0x56: {  	s7 =	sadd.s32 $0x6980, s23;
	s9 =	sadd.s32 $0x580, s23  }
0x57: {  	[tilespmem:s7], [sflag:$0x1] =	stream.indirect.gather [hbm4b:s2+s10], $0x1, s9, s10, $0x2000b8;
	[tilespmem:$0x18800] =	vst v63  }
0x58: {  	s7 =	sadd.s32 $0x6A00, s23;
	s9 =	sadd.s32 $0x600, s23  }
0x59: {  	[tilespmem:s7], [sflag:$0x1] =	stream.indirect.gather [hbm4b:s2+s10], $0x1, s9, s10, $0x2000b8;
	[tilespmem:$0x18800] =	vst v63  }
0x5a: {  	s7 =	sadd.s32 $0x6A80, s23;
	s9 =	sadd.s32 $0x680, s23  }
0x5b: {  	[tilespmem:s7], [sflag:$0x1] =	stream.indirect.gather [hbm4b:s2+s10], $0x1, s9, s10, $0x2000b8;
	[tilespmem:$0x18800] =	vst v63  }
0x5c: {  	s7 =	sadd.s32 $0x6B00, s23;
	s9 =	sadd.s32 $0x700, s23  }
0x5d: {  	[tilespmem:s7], [sflag:$0x1] =	stream.indirect.gather [hbm4b:s2+s10], $0x1, s9, s10, $0x2000b8;
	[tilespmem:$0x18800] =	vst v63  }
0x5e: {  	s7 =	sadd.s32 $0x6B80, s23;
	s9 =	sadd.s32 $0x780, s23  }
0x5f: {  	[tilespmem:s7], [sflag:$0x1] =	stream.indirect.gather [hbm4b:s2+s10], $0x1, s9, s10, $0x2000b8;
	[tilespmem:$0x18800] =	vst v63  }
0x60: {  	_ =	swait.ge [sflag:s25], $0x80  }
0x61: {  	[sflag:s25] =	ssyncset.done $0x0  }
0x62: {  	[sflag:s25] =	ssyncadd.s32 $0xFFFFFF80  }
0x63: {  	_ =	swait.ge [sflag:s25], $0x80  }
0x64: {  	[sflag:s25] =	ssyncset.done $0x0  }
0x65: {  	[sflag:s25] =	ssyncadd.s32 $0xFFFFFF80  }
0x66: {  	_ =	swait.ge [sflag:s25], $0x80  }
0x67: {  	[sflag:s25] =	ssyncset.done $0x0  }
0x68: {  	[sflag:s25] =	ssyncadd.s32 $0xFFFFFF80  }
0x69: {  	_ =	swait.ge [sflag:s25], $0x80  }
0x6a: {  	[sflag:s25] =	ssyncset.done $0x0  }
0x6b: {  	[sflag:s25] =	ssyncadd.s32 $0xFFFFFF80  }
0x6c: {  	_ =	swait.ge [sflag:s25], $0x80  }
0x6d: {  	[sflag:s25] =	ssyncset.done $0x0  }
0x6e: {  	[sflag:s25] =	ssyncadd.s32 $0xFFFFFF80  }
0x6f: {  	_ =	swait.ge [sflag:s25], $0x80  }
0x70: {  	[sflag:s25] =	ssyncset.done $0x0  }
0x71: {  	[sflag:s25] =	ssyncadd.s32 $0xFFFFFF80  }
.Ltmp0:
0x72: {  	_ =	swait.ge [sflag:s25], $0x80;
	(pc) =	sbr.rel @p0 .LBB2_2-.Ltmp0, $4  }
0x73: {  	[sflag:s25] =	ssyncset.done $0x0  }
0x74: {  	[sflag:s25] =	ssyncadd.s32 $0xFFFFFF80  }
0x75: {  	_ =	swait.ge [sflag:s25], $0x80  }
0x76: {  	s23 =	sshra.s32 s3, $0x2;
	s7 =	smov.u32 s8;
	[sflag:s25] =	ssyncset.done $0x0  }
0x77: {  	s3 =	sadd.s32 $0x6800, s23;
	s7 =	sadd.s32 $0x400, s23;
	[sflag:s25] =	ssyncadd.s32 $0xFFFFFF80  }
0x78: {  	[tilespmem:s3], [sflag:$0x1] =	stream.indirect.gather [hbm4b:s2+s10], $0x1, s7, s10, $0x2000b8;
	[tilespmem:$0x18800] =	vst v63  }
0x79: {  	s8 =	sadd.s32 $0x6880, s23;
	s9 =	sadd.s32 $0x480, s23  }
0x7a: {  	[tilespmem:s8], [sflag:$0x1] =	stream.indirect.gather [hbm4b:s2+s10], $0x1, s9, s10, $0x2000b8;
	[tilespmem:$0x18800] =	vst v63  }
0x7b: {  	s18 =	sadd.s32 $0x6900, s23;
	s24 =	sadd.s32 $0x500, s23  }
0x7c: {  	[tilespmem:s18], [sflag:$0x1] =	stream.indirect.gather [hbm4b:s2+s10], $0x1, s24, s10, $0x2000b8;
	[tilespmem:$0x18800] =	vst v63  }
0x7d: {  	s8 =	sadd.s32 $0x6980, s23;
	s9 =	sadd.s32 $0x580, s23  }
0x7e: {  	[tilespmem:s8], [sflag:$0x1] =	stream.indirect.gather [hbm4b:s2+s10], $0x1, s9, s10, $0x2000b8;
	[tilespmem:$0x18800] =	vst v63  }
0x7f: {  	s18 =	sadd.s32 $0x6A00, s23;
	s24 =	sadd.s32 $0x600, s23  }
0x80: {  	[tilespmem:s18], [sflag:$0x1] =	stream.indirect.gather [hbm4b:s2+s10], $0x1, s24, s10, $0x2000b8;
	[tilespmem:$0x18800] =	vst v63  }
0x81: {  	s8 =	sadd.s32 $0x6A80, s23;
	s9 =	sadd.s32 $0x680, s23  }
0x82: {  	[tilespmem:s8], [sflag:$0x1] =	stream.indirect.gather [hbm4b:s2+s10], $0x1, s9, s10, $0x2000b8;
	[tilespmem:$0x18800] =	vst v63  }
0x83: {  	s18 =	sadd.s32 $0x6B00, s23;
	s24 =	sadd.s32 $0x700, s23  }
0x84: {  	[tilespmem:s18], [sflag:$0x1] =	stream.indirect.gather [hbm4b:s2+s10], $0x1, s24, s10, $0x2000b8;
	[tilespmem:$0x18800] =	vst v63  }
0x85: {  	s7 =	sadd.s32 $0x6B80, s23;
	s8 =	sadd.s32 $0x780, s23  }
0x86: {  	[tilespmem:s7], [sflag:$0x1] =	stream.indirect.gather [hbm4b:s2+s10], $0x1, s8, s10, $0x2000b8;
	[tilespmem:$0x18800] =	vst v63  }
0x87: {  	_ =	swait.ge [sflag:s25], $0x80  }
0x88: {  	[sflag:s25] =	ssyncset.done $0x0  }
0x89: {  	[sflag:s25] =	ssyncadd.s32 $0xFFFFFF80  }
0x8a: {  	_ =	swait.ge [sflag:s25], $0x80  }
0x8b: {  	[sflag:s25] =	ssyncset.done $0x0  }
0x8c: {  	[sflag:s25] =	ssyncadd.s32 $0xFFFFFF80  }
0x8d: {  	_ =	swait.ge [sflag:s25], $0x80  }
0x8e: {  	[sflag:s25] =	ssyncset.done $0x0  }
0x8f: {  	[sflag:s25] =	ssyncadd.s32 $0xFFFFFF80  }
0x90: {  	_ =	swait.ge [sflag:s25], $0x80  }
0x91: {  	[sflag:s25] =	ssyncset.done $0x0  }
0x92: {  	[sflag:s25] =	ssyncadd.s32 $0xFFFFFF80  }
0x93: {  	_ =	swait.ge [sflag:s25], $0x80  }
0x94: {  	[sflag:s25] =	ssyncset.done $0x0  }
0x95: {  	[sflag:s25] =	ssyncadd.s32 $0xFFFFFF80  }
0x96: {  	_ =	swait.ge [sflag:s25], $0x80  }
0x97: {  	[sflag:s25] =	ssyncset.done $0x0  }
0x98: {  	[sflag:s25] =	ssyncadd.s32 $0xFFFFFF80  }
0x99: {  	_ =	swait.ge [sflag:s25], $0x80  }
0x9a: {  	[sflag:s25] =	ssyncset.done $0x0  }
0x9b: {  	[sflag:s25] =	ssyncadd.s32 $0xFFFFFF80  }
0x9c: {  	_ =	swait.ge [sflag:s25], $0x80  }
0x9d: {  	[sflag:s25] =	ssyncset.done $0x0  }
0x9e: {  	[sflag:s25] =	ssyncadd.s32 $0xFFFFFF80  }
0x9f: {  	_ =	swait.ge [sflag:s25], $0x80  }
0xa0: {  	[sflag:s25] =	ssyncset.done $0x0  }
0xa1: {  	[sflag:s25] =	ssyncadd.s32 $0xFFFFFF80  }
0xa2: {  	_ =	swait.ge [sflag:s25], $0x80  }
0xa3: {  	[sflag:s25] =	ssyncset.done $0x0  }
0xa4: {  	[sflag:s25] =	ssyncadd.s32 $0xFFFFFF80  }
0xa5: {  	_ =	swait.ge [sflag:s25], $0x80  }
0xa6: {  	[sflag:s25] =	ssyncset.done $0x0  }
0xa7: {  	[sflag:s25] =	ssyncadd.s32 $0xFFFFFF80  }
0xa8: {  	_ =	swait.ge [sflag:s25], $0x80  }
0xa9: {  	[sflag:s25] =	ssyncset.done $0x0  }
0xaa: {  	[sflag:s25] =	ssyncadd.s32 $0xFFFFFF80  }
0xab: {  	_ =	swait.ge [sflag:s25], $0x80  }
0xac: {  	[sflag:s25] =	ssyncset.done $0x0  }
0xad: {  	[sflag:s25] =	ssyncadd.s32 $0xFFFFFF80  }
0xae: {  	_ =	swait.ge [sflag:s25], $0x80  }
0xaf: {  	[sflag:s25] =	ssyncset.done $0x0  }
0xb0: {  	[sflag:s25] =	ssyncadd.s32 $0xFFFFFF80  }
0xb1: {  	_ =	swait.ge [sflag:s25], $0x80  }
0xb2: {  	[sflag:s25] =	ssyncset.done $0x0  }
0xb3: {  	[sflag:s25] =	ssyncadd.s32 $0xFFFFFF80  }
0xb4: {  	_ =	swait.ge [sflag:s25], $0x80  }
0xb5: {  	[sflag:s25] =	ssyncset.done $0x0  }
0xb6: {  	[sflag:s25] =	ssyncadd.s32 $0xFFFFFF80  }
0xb7: {  	p0 =	por $0x1, $0x1;
	_ =	strace $0x90000049  }
0xb8: {  	s3 =	simm.s32 @!p0 $0x6;
	_ =	strace $0x8000004A  }
0xb9: {  	_ =	swait.ge @!p0 [sflag:s3], $0x1000  }
0xba: {  	[sflag:s3] =	ssyncset.done @!p0 $0x0  }
0xbb: {  	[sflag:s3] =	ssyncadd.s32 @!p0 $0xFFFFF000  }
0xbc: {  	_ =	swait.ge @!p0 [sflag:s3], $0x2000  }
0xbd: {  	[sflag:s3] =	ssyncset.done @!p0 $0x0  }
0xbe: {  	s9 =	simm.s32 $0x0;
	[sflag:s3] =	ssyncadd.s32 @!p0 $0xFFFFE000  }
0xbf: {  	[tilespmem:s26], [sflag:$0x2] =	stream.indirect.gather [hbm4b:s4+s10], $0x20, s9, s10, $0x2000b8;
	[tilespmem:$0x18800] =	vst v63  }
0xc0: {  	s18 =	simm.s32 $0x6400;
	s7 =	simm.s32 @!p0 $0x7  }
0xc1: {  	[tilespmem:s28], [sflag:$0x2] =	stream.indirect.gather [hbm4b:s5+s10], $0x40, s18, s10, $0x2000b8;
	[tilespmem:$0x18800] =	vst v63  }
0xc2: {  	_ =	swait.ge @!p0 [sflag:s7], $0x1000  }
0xc3: {  	[sflag:s7] =	ssyncset.done @!p0 $0x0  }
0xc4: {  	[sflag:s7] =	ssyncadd.s32 @!p0 $0xFFFFF000  }
0xc5: {  	_ =	swait.ge @!p0 [sflag:s7], $0x2000  }
0xc6: {  	[sflag:s7] =	ssyncset.done @!p0 $0x0  }
0xc7: {  	s23 =	simm.s32 $0x80;
	[sflag:s7] =	ssyncadd.s32 @!p0 $0xFFFFE000  }
0xc8: {  	[tilespmem:s29], [sflag:$0x3] =	stream.indirect.gather [hbm4b:s4+s10], $0x20, s23, s10, $0x2000b8;
	[tilespmem:$0x18800] =	vst v63  }
0xc9: {  	s24 =	simm.s32 $0x6480;
	s7 =	simm.s32 @!p0 $0x8  }
0xca: {  	[tilespmem:s30], [sflag:$0x3] =	stream.indirect.gather [hbm4b:s5+s10], $0x40, s24, s10, $0x2000b8;
	[tilespmem:$0x18800] =	vst v63  }
0xcb: {  	_ =	swait.ge @!p0 [sflag:s7], $0x1000  }
0xcc: {  	[sflag:s7] =	ssyncset.done @!p0 $0x0  }
0xcd: {  	[sflag:s7] =	ssyncadd.s32 @!p0 $0xFFFFF000  }
0xce: {  	_ =	swait.ge @!p0 [sflag:s7], $0x2000  }
0xcf: {  	[sflag:s7] =	ssyncset.done @!p0 $0x0  }
0xd0: {  	s8 =	simm.s32 $0x100;
	[sflag:s7] =	ssyncadd.s32 @!p0 $0xFFFFE000  }
0xd1: {  	[tilespmem:s31], [sflag:$0x4] =	stream.indirect.gather [hbm4b:s4+s10], $0x20, s8, s10, $0x2000b8;
	[tilespmem:$0x18800] =	vst v63  }
0xd2: {  	s9 =	simm.s32 $0x6500;
	s7 =	simm.s32 @!p0 $0x9  }
0xd3: {  	[tilespmem:s1], [sflag:$0x4] =	stream.indirect.gather [hbm4b:s5+s10], $0x40, s9, s10, $0x2000b8;
	[tilespmem:$0x18800] =	vst v63  }
0xd4: {  	_ =	swait.ge @!p0 [sflag:s7], $0x1000  }
0xd5: {  	[sflag:s7] =	ssyncset.done @!p0 $0x0  }
0xd6: {  	[sflag:s7] =	ssyncadd.s32 @!p0 $0xFFFFF000  }
0xd7: {  	_ =	swait.ge @!p0 [sflag:s7], $0x2000  }
0xd8: {  	[sflag:s7] =	ssyncset.done @!p0 $0x0  }
0xd9: {  	s18 =	simm.s32 $0x180;
	[sflag:s7] =	ssyncadd.s32 @!p0 $0xFFFFE000  }
0xda: {  	[tilespmem:s0], [sflag:$0x5] =	stream.indirect.gather [hbm4b:s4+s10], $0x20, s18, s10, $0x2000b8;
	[tilespmem:$0x18800] =	vst v63  }
0xdb: {  	s23 =	simm.s32 $0x6580  }
0xdc: {  	[tilespmem:s11], [sflag:$0x5] =	stream.indirect.gather [hbm4b:s5+s10], $0x40, s23, s10, $0x2000b8;
	[tilespmem:$0x18800] =	vst v63  }
0xdd: {  	_ =	swait.ge [sflag:s12], $0x1000  }
0xde: {  	[sflag:s12] =	ssyncset.done $0x0  }
0xdf: {  	s24 =	sadd.s32 $0xFFFFE7FC, s6;
	[sflag:s12] =	ssyncadd.s32 $0xFFFFF000  }
0xe0: {  	[hbm4b:s24+s13] =	stream.strided.scatter [tilespmem:s26], [sflag:$0x6], $0x1000, s10, s13, $0x200038;
	[tilespmem:$0x18800] =	vst v63  }
0xe1: {  	_ =	swait.ge [sflag:s12], $0x2000  }
0xe2: {  	[sflag:s12] =	ssyncset.done $0x0  }
0xe3: {  	s7 =	sadd.s32 $0xFFFFE800, s6;
	[sflag:s12] =	ssyncadd.s32 $0xFFFFE000  }
0xe4: {  	[hbm4b:s7+s14] =	stream.strided.scatter [tilespmem:s28], [sflag:$0x6], $0x2000, s10, s14, $0x200038;
	[tilespmem:$0x18800] =	vst v63  }
0xe5: {  	_ =	swait.ge [sflag:s15], $0x1000  }
0xe6: {  	[sflag:s15] =	ssyncset.done $0x0  }
0xe7: {  	s8 =	sadd.s32 $0xFFFFEFFC, s6;
	[sflag:s15] =	ssyncadd.s32 $0xFFFFF000  }
0xe8: {  	[hbm4b:s8+s13] =	stream.strided.scatter [tilespmem:s29], [sflag:$0x7], $0x1000, s10, s13, $0x200038;
	[tilespmem:$0x18800] =	vst v63  }
0xe9: {  	_ =	swait.ge [sflag:s15], $0x2000  }
0xea: {  	[sflag:s15] =	ssyncset.done $0x0  }
0xeb: {  	s9 =	sadd.s32 $0xFFFFF000, s6;
	[sflag:s15] =	ssyncadd.s32 $0xFFFFE000  }
0xec: {  	[hbm4b:s9+s14] =	stream.strided.scatter [tilespmem:s30], [sflag:$0x7], $0x2000, s10, s14, $0x200038;
	[tilespmem:$0x18800] =	vst v63  }
0xed: {  	_ =	swait.ge [sflag:s16], $0x1000  }
0xee: {  	[sflag:s16] =	ssyncset.done $0x0  }
0xef: {  	s18 =	sadd.s32 $0xFFFFF7FC, s6;
	[sflag:s16] =	ssyncadd.s32 $0xFFFFF000  }
0xf0: {  	[hbm4b:s18+s13] =	stream.strided.scatter [tilespmem:s31], [sflag:$0x8], $0x1000, s10, s13, $0x200038;
	[tilespmem:$0x18800] =	vst v63  }
0xf1: {  	_ =	swait.ge [sflag:s16], $0x2000  }
0xf2: {  	[sflag:s16] =	ssyncset.done $0x0  }
0xf3: {  	s23 =	sadd.s32 $0xFFFFF800, s6;
	[sflag:s16] =	ssyncadd.s32 $0xFFFFE000  }
0xf4: {  	[hbm4b:s23+s14] =	stream.strided.scatter [tilespmem:s1], [sflag:$0x8], $0x2000, s10, s14, $0x200038;
	[tilespmem:$0x18800] =	vst v63  }
0xf5: {  	_ =	swait.ge [sflag:s17], $0x1000  }
0xf6: {  	[sflag:s17] =	ssyncset.done $0x0  }
0xf7: {  	p1 =	por $0x0, $0x0;
	s24 =	sadd.s32 $0xFFFFFFFC, s6;
	[sflag:s17] =	ssyncadd.s32 $0xFFFFF000  }
0xf8: {  	[hbm4b:s24+s13] =	stream.strided.scatter [tilespmem:s0], [sflag:$0x9], $0x1000, s10, s13, $0x200038;
	[tilespmem:$0x18800] =	vst v63  }
0xf9: {  	s3 =	simm.s32 $0x1000;
	s8 =	smov.u32 s6;
	_ =	swait.ge [sflag:s17], $0x2000  }
0xfa: {  	s23 =	sadd.s32 $0x2000, s6;
	s24 =	simm.s32 $0x800;
	[sflag:s17] =	ssyncset.done $0x0  }
.LBB2_4:
0xfb: {  	s7 =	simm.s32 @!p1 $0x6  }
0xfc: {  	[sflag:s17] =	ssyncadd.s32 $0xFFFFE000;
	s9 =	smov.u32 s3;
	s3 =	sadd.s32 $0x800, s3  }
0xfd: {  	[hbm4b:s8+s14] =	stream.strided.scatter [tilespmem:s11], [sflag:$0x9], $0x2000, s10, s14, $0x200038;
	[tilespmem:$0x18800] =	vst v63  }
0xfe: {  	p0 =	sne.s32 s3, $0x19000;
	s8 =	smov.u32 s23;
	_ =	swait.ge @!p1 [sflag:s7], $0x1000  }
0xff: {  	[sflag:s7] =	ssyncset.done @!p1 $0x0  }
0x100: {  	[sflag:s7] =	ssyncadd.s32 @!p1 $0xFFFFF000  }
0x101: {  	_ =	swait.ge @!p1 [sflag:s7], $0x2000  }
0x102: {  	[sflag:s7] =	ssyncset.done @!p1 $0x0  }
0x103: {  	[sflag:s7] =	ssyncadd.s32 @!p1 $0xFFFFE000;
	s7 =	sshra.s32 s24, $0x2;
	s24 =	smov.u32 s9  }
0x104: {  	[tilespmem:s26], [sflag:$0x2] =	stream.indirect.gather [hbm4b:s4+s10], $0x20, s7, s10, $0x2000b8;
	[tilespmem:$0x18800] =	vst v63  }
0x105: {  	s18 =	simm.s32 @!p1 $0x7;
	s9 =	sadd.s32 $0x6400, s7  }
0x106: {  	[tilespmem:s28], [sflag:$0x2] =	stream.indirect.gather [hbm4b:s5+s10], $0x40, s9, s10, $0x2000b8;
	[tilespmem:$0x18800] =	vst v63  }
0x107: {  	_ =	swait.ge @!p1 [sflag:s18], $0x1000  }
0x108: {  	[sflag:s18] =	ssyncset.done @!p1 $0x0  }
0x109: {  	[sflag:s18] =	ssyncadd.s32 @!p1 $0xFFFFF000  }
0x10a: {  	_ =	swait.ge @!p1 [sflag:s18], $0x2000  }
0x10b: {  	[sflag:s18] =	ssyncset.done @!p1 $0x0  }
0x10c: {  	s9 =	sadd.s32 $0x80, s7;
	[sflag:s18] =	ssyncadd.s32 @!p1 $0xFFFFE000  }
0x10d: {  	[tilespmem:s29], [sflag:$0x3] =	stream.indirect.gather [hbm4b:s4+s10], $0x20, s9, s10, $0x2000b8;
	[tilespmem:$0x18800] =	vst v63  }
0x10e: {  	s18 =	simm.s32 @!p1 $0x8;
	s9 =	sadd.s32 $0x6480, s7  }
0x10f: {  	[tilespmem:s30], [sflag:$0x3] =	stream.indirect.gather [hbm4b:s5+s10], $0x40, s9, s10, $0x2000b8;
	[tilespmem:$0x18800] =	vst v63  }
0x110: {  	_ =	swait.ge @!p1 [sflag:s18], $0x1000  }
0x111: {  	[sflag:s18] =	ssyncset.done @!p1 $0x0  }
0x112: {  	[sflag:s18] =	ssyncadd.s32 @!p1 $0xFFFFF000  }
0x113: {  	_ =	swait.ge @!p1 [sflag:s18], $0x2000  }
0x114: {  	[sflag:s18] =	ssyncset.done @!p1 $0x0  }
0x115: {  	s9 =	sadd.s32 $0x100, s7;
	[sflag:s18] =	ssyncadd.s32 @!p1 $0xFFFFE000  }
0x116: {  	[tilespmem:s31], [sflag:$0x4] =	stream.indirect.gather [hbm4b:s4+s10], $0x20, s9, s10, $0x2000b8;
	[tilespmem:$0x18800] =	vst v63  }
0x117: {  	s18 =	simm.s32 @!p1 $0x9;
	s9 =	sadd.s32 $0x6500, s7  }
0x118: {  	[tilespmem:s1], [sflag:$0x4] =	stream.indirect.gather [hbm4b:s5+s10], $0x40, s9, s10, $0x2000b8;
	[tilespmem:$0x18800] =	vst v63  }
0x119: {  	_ =	swait.ge @!p1 [sflag:s18], $0x1000  }
0x11a: {  	[sflag:s18] =	ssyncset.done @!p1 $0x0  }
0x11b: {  	[sflag:s18] =	ssyncadd.s32 @!p1 $0xFFFFF000  }
0x11c: {  	_ =	swait.ge @!p1 [sflag:s18], $0x2000  }
0x11d: {  	[sflag:s18] =	ssyncset.done @!p1 $0x0  }
0x11e: {  	s9 =	sadd.s32 $0x180, s7;
	[sflag:s18] =	ssyncadd.s32 @!p1 $0xFFFFE000  }
0x11f: {  	[tilespmem:s0], [sflag:$0x5] =	stream.indirect.gather [hbm4b:s4+s10], $0x20, s9, s10, $0x2000b8;
	[tilespmem:$0x18800] =	vst v63  }
0x120: {  	s7 =	sadd.s32 $0x6580, s7  }
0x121: {  	[tilespmem:s11], [sflag:$0x5] =	stream.indirect.gather [hbm4b:s5+s10], $0x40, s7, s10, $0x2000b8;
	[tilespmem:$0x18800] =	vst v63  }
0x122: {  	_ =	swait.ge [sflag:s12], $0x1000  }
0x123: {  	[sflag:s12] =	ssyncset.done $0x0  }
0x124: {  	s7 =	sadd.s32 $0xFFFFE7FC, s23;
	[sflag:s12] =	ssyncadd.s32 $0xFFFFF000  }
0x125: {  	[hbm4b:s7+s13] =	stream.strided.scatter [tilespmem:s26], [sflag:$0x6], $0x1000, s10, s13, $0x200038;
	[tilespmem:$0x18800] =	vst v63  }
0x126: {  	_ =	swait.ge [sflag:s12], $0x2000  }
0x127: {  	[sflag:s12] =	ssyncset.done $0x0  }
0x128: {  	s7 =	sadd.s32 $0xFFFFE800, s23;
	[sflag:s12] =	ssyncadd.s32 $0xFFFFE000  }
0x129: {  	[hbm4b:s7+s14] =	stream.strided.scatter [tilespmem:s28], [sflag:$0x6], $0x2000, s10, s14, $0x200038;
	[tilespmem:$0x18800] =	vst v63  }
0x12a: {  	_ =	swait.ge [sflag:s15], $0x1000  }
0x12b: {  	[sflag:s15] =	ssyncset.done $0x0  }
0x12c: {  	s7 =	sadd.s32 $0xFFFFEFFC, s23;
	[sflag:s15] =	ssyncadd.s32 $0xFFFFF000  }
0x12d: {  	[hbm4b:s7+s13] =	stream.strided.scatter [tilespmem:s29], [sflag:$0x7], $0x1000, s10, s13, $0x200038;
	[tilespmem:$0x18800] =	vst v63  }
0x12e: {  	_ =	swait.ge [sflag:s15], $0x2000  }
0x12f: {  	[sflag:s15] =	ssyncset.done $0x0  }
0x130: {  	s7 =	sadd.s32 $0xFFFFF000, s23;
	[sflag:s15] =	ssyncadd.s32 $0xFFFFE000  }
0x131: {  	[hbm4b:s7+s14] =	stream.strided.scatter [tilespmem:s30], [sflag:$0x7], $0x2000, s10, s14, $0x200038;
	[tilespmem:$0x18800] =	vst v63  }
0x132: {  	_ =	swait.ge [sflag:s16], $0x1000  }
0x133: {  	[sflag:s16] =	ssyncset.done $0x0  }
0x134: {  	s7 =	sadd.s32 $0xFFFFF7FC, s23;
	[sflag:s16] =	ssyncadd.s32 $0xFFFFF000  }
0x135: {  	[hbm4b:s7+s13] =	stream.strided.scatter [tilespmem:s31], [sflag:$0x8], $0x1000, s10, s13, $0x200038;
	[tilespmem:$0x18800] =	vst v63  }
0x136: {  	_ =	swait.ge [sflag:s16], $0x2000  }
0x137: {  	[sflag:s16] =	ssyncset.done $0x0  }
0x138: {  	s7 =	sadd.s32 $0xFFFFF800, s23;
	[sflag:s16] =	ssyncadd.s32 $0xFFFFE000  }
0x139: {  	[hbm4b:s7+s14] =	stream.strided.scatter [tilespmem:s1], [sflag:$0x8], $0x2000, s10, s14, $0x200038;
	[tilespmem:$0x18800] =	vst v63  }
0x13a: {  	_ =	swait.ge [sflag:s17], $0x1000  }
.Ltmp1:
0x13b: {  	[sflag:s17] =	ssyncset.done $0x0;
	(pc) =	sbr.rel @p0 .LBB2_4-.Ltmp1, $4  }
0x13c: {  	s7 =	sadd.s32 $0xFFFFFFFC, s23;
	[sflag:s17] =	ssyncadd.s32 $0xFFFFF000  }
0x13d: {  	[hbm4b:s7+s13] =	stream.strided.scatter [tilespmem:s0], [sflag:$0x9], $0x1000, s10, s13, $0x200038;
	[tilespmem:$0x18800] =	vst v63  }
0x13e: {  	_ =	swait.ge [sflag:s17], $0x2000  }
0x13f: {  	p1 =	seq.s32 s24, $0x0;
	s23 =	sadd.s32 $0x2000, s23;
	[sflag:s17] =	ssyncset.done $0x0  }
0x140: {  	[sflag:s17] =	ssyncadd.s32 $0xFFFFE000;
	s3 =	simm.s32 @!p1 $0x6  }
0x141: {  	[hbm4b:s8+s14] =	stream.strided.scatter [tilespmem:s11], [sflag:$0x9], $0x2000, s10, s14, $0x200038;
	[tilespmem:$0x18800] =	vst v63  }
0x142: {  	_ =	swait.ge @!p1 [sflag:s3], $0x1000  }
0x143: {  	[sflag:s3] =	ssyncset.done @!p1 $0x0  }
0x144: {  	[sflag:s3] =	ssyncadd.s32 @!p1 $0xFFFFF000  }
0x145: {  	_ =	swait.ge @!p1 [sflag:s3], $0x2000  }
0x146: {  	[sflag:s3] =	ssyncset.done @!p1 $0x0  }
0x147: {  	[sflag:s3] =	ssyncadd.s32 @!p1 $0xFFFFE000;
	s3 =	sshra.s32 s24, $0x2  }
0x148: {  	[tilespmem:s26], [sflag:$0x2] =	stream.indirect.gather [hbm4b:s4+s10], $0x20, s3, s10, $0x2000b8;
	[tilespmem:$0x18800] =	vst v63  }
0x149: {  	s7 =	sadd.s32 $0x6400, s3  }
0x14a: {  	[tilespmem:s28], [sflag:$0x2] =	stream.indirect.gather [hbm4b:s5+s10], $0x40, s7, s10, $0x2000b8;
	[tilespmem:$0x18800] =	vst v63  }
0x14b: {  	s7 =	simm.s32 @!p1 $0x7  }
0x14c: {  	_ =	swait.ge @!p1 [sflag:s7], $0x1000  }
0x14d: {  	[sflag:s7] =	ssyncset.done @!p1 $0x0  }
0x14e: {  	[sflag:s7] =	ssyncadd.s32 @!p1 $0xFFFFF000  }
0x14f: {  	_ =	swait.ge @!p1 [sflag:s7], $0x2000  }
0x150: {  	[sflag:s7] =	ssyncset.done @!p1 $0x0  }
0x151: {  	s8 =	sadd.s32 $0x80, s3;
	[sflag:s7] =	ssyncadd.s32 @!p1 $0xFFFFE000  }
0x152: {  	[tilespmem:s29], [sflag:$0x3] =	stream.indirect.gather [hbm4b:s4+s10], $0x20, s8, s10, $0x2000b8;
	[tilespmem:$0x18800] =	vst v63  }
0x153: {  	s9 =	sadd.s32 $0x6480, s3;
	s7 =	simm.s32 @!p1 $0x8  }
0x154: {  	[tilespmem:s30], [sflag:$0x3] =	stream.indirect.gather [hbm4b:s5+s10], $0x40, s9, s10, $0x2000b8;
	[tilespmem:$0x18800] =	vst v63  }
0x155: {  	_ =	swait.ge @!p1 [sflag:s7], $0x1000  }
0x156: {  	[sflag:s7] =	ssyncset.done @!p1 $0x0  }
0x157: {  	[sflag:s7] =	ssyncadd.s32 @!p1 $0xFFFFF000  }
0x158: {  	_ =	swait.ge @!p1 [sflag:s7], $0x2000  }
0x159: {  	[sflag:s7] =	ssyncset.done @!p1 $0x0  }
0x15a: {  	s18 =	sadd.s32 $0x100, s3;
	[sflag:s7] =	ssyncadd.s32 @!p1 $0xFFFFE000  }
0x15b: {  	[tilespmem:s31], [sflag:$0x4] =	stream.indirect.gather [hbm4b:s4+s10], $0x20, s18, s10, $0x2000b8;
	[tilespmem:$0x18800] =	vst v63  }
0x15c: {  	s24 =	sadd.s32 $0x6500, s3;
	s7 =	simm.s32 @!p1 $0x9  }
0x15d: {  	[tilespmem:s1], [sflag:$0x4] =	stream.indirect.gather [hbm4b:s5+s10], $0x40, s24, s10, $0x2000b8;
	[tilespmem:$0x18800] =	vst v63  }
0x15e: {  	_ =	swait.ge @!p1 [sflag:s7], $0x1000  }
0x15f: {  	[sflag:s7] =	ssyncset.done @!p1 $0x0  }
0x160: {  	[sflag:s7] =	ssyncadd.s32 @!p1 $0xFFFFF000  }
0x161: {  	_ =	swait.ge @!p1 [sflag:s7], $0x2000  }
0x162: {  	[sflag:s7] =	ssyncset.done @!p1 $0x0  }
0x163: {  	s8 =	sadd.s32 $0x180, s3;
	[sflag:s7] =	ssyncadd.s32 @!p1 $0xFFFFE000  }
0x164: {  	[tilespmem:s0], [sflag:$0x5] =	stream.indirect.gather [hbm4b:s4+s10], $0x20, s8, s10, $0x2000b8;
	[tilespmem:$0x18800] =	vst v63  }
0x165: {  	s3 =	sadd.s32 $0x6580, s3  }
0x166: {  	[tilespmem:s11], [sflag:$0x5] =	stream.indirect.gather [hbm4b:s5+s10], $0x40, s3, s10, $0x2000b8;
	[tilespmem:$0x18800] =	vst v63  }
0x167: {  	_ =	swait.ge [sflag:s12], $0x1000  }
0x168: {  	[sflag:s12] =	ssyncset.done $0x0  }
0x169: {  	s9 =	sadd.s32 $0xFFFFE7FC, s23;
	[sflag:s12] =	ssyncadd.s32 $0xFFFFF000  }
0x16a: {  	[hbm4b:s9+s13] =	stream.strided.scatter [tilespmem:s26], [sflag:$0x6], $0x1000, s10, s13, $0x200038;
	[tilespmem:$0x18800] =	vst v63  }
0x16b: {  	_ =	swait.ge [sflag:s12], $0x2000  }
0x16c: {  	[sflag:s12] =	ssyncset.done $0x0  }
0x16d: {  	s18 =	sadd.s32 $0xFFFFE800, s23;
	[sflag:s12] =	ssyncadd.s32 $0xFFFFE000  }
0x16e: {  	[hbm4b:s18+s14] =	stream.strided.scatter [tilespmem:s28], [sflag:$0x6], $0x2000, s10, s14, $0x200038;
	[tilespmem:$0x18800] =	vst v63  }
0x16f: {  	_ =	swait.ge [sflag:s15], $0x1000  }
0x170: {  	[sflag:s15] =	ssyncset.done $0x0  }
0x171: {  	s24 =	sadd.s32 $0xFFFFEFFC, s23;
	[sflag:s15] =	ssyncadd.s32 $0xFFFFF000  }
0x172: {  	[hbm4b:s24+s13] =	stream.strided.scatter [tilespmem:s29], [sflag:$0x7], $0x1000, s10, s13, $0x200038;
	[tilespmem:$0x18800] =	vst v63  }
0x173: {  	_ =	swait.ge [sflag:s15], $0x2000  }
0x174: {  	[sflag:s15] =	ssyncset.done $0x0  }
0x175: {  	s7 =	sadd.s32 $0xFFFFF000, s23;
	[sflag:s15] =	ssyncadd.s32 $0xFFFFE000  }
0x176: {  	[hbm4b:s7+s14] =	stream.strided.scatter [tilespmem:s30], [sflag:$0x7], $0x2000, s10, s14, $0x200038;
	[tilespmem:$0x18800] =	vst v63  }
0x177: {  	_ =	swait.ge [sflag:s16], $0x1000  }
0x178: {  	[sflag:s16] =	ssyncset.done $0x0  }
0x179: {  	s8 =	sadd.s32 $0xFFFFF7FC, s23;
	[sflag:s16] =	ssyncadd.s32 $0xFFFFF000  }
0x17a: {  	[hbm4b:s8+s13] =	stream.strided.scatter [tilespmem:s31], [sflag:$0x8], $0x1000, s10, s13, $0x200038;
	[tilespmem:$0x18800] =	vst v63  }
0x17b: {  	_ =	swait.ge [sflag:s16], $0x2000  }
0x17c: {  	[sflag:s16] =	ssyncset.done $0x0  }
0x17d: {  	s9 =	sadd.s32 $0xFFFFF800, s23;
	[sflag:s16] =	ssyncadd.s32 $0xFFFFE000  }
0x17e: {  	[hbm4b:s9+s14] =	stream.strided.scatter [tilespmem:s1], [sflag:$0x8], $0x2000, s10, s14, $0x200038;
	[tilespmem:$0x18800] =	vst v63  }
0x17f: {  	_ =	swait.ge [sflag:s17], $0x1000  }
0x180: {  	[sflag:s17] =	ssyncset.done $0x0  }
0x181: {  	s18 =	sadd.s32 $0xFFFFFFFC, s23;
	[sflag:s17] =	ssyncadd.s32 $0xFFFFF000  }
0x182: {  	[hbm4b:s18+s13] =	stream.strided.scatter [tilespmem:s0], [sflag:$0x9], $0x1000, s10, s13, $0x200038;
	[tilespmem:$0x18800] =	vst v63  }
0x183: {  	_ =	swait.ge [sflag:s17], $0x2000  }
0x184: {  	[sflag:s17] =	ssyncset.done $0x0  }
0x185: {  	[sflag:s17] =	ssyncadd.s32 $0xFFFFE000  }
0x186: {  	[hbm4b:s23+s14] =	stream.strided.scatter [tilespmem:s11], [sflag:$0x9], $0x2000, s10, s14, $0x200038;
	[tilespmem:$0x18800] =	vst v63  }
0x187: {  	s23 =	simm.s32 $0x6  }
0x188: {  	_ =	swait.ge [sflag:s23], $0x1000  }
0x189: {  	[sflag:s23] =	ssyncset.done $0x0  }
0x18a: {  	[sflag:s23] =	ssyncadd.s32 $0xFFFFF000  }
0x18b: {  	_ =	swait.ge [sflag:s23], $0x2000  }
0x18c: {  	[sflag:s23] =	ssyncset.done $0x0  }
0x18d: {  	[sflag:s23] =	ssyncadd.s32 $0xFFFFE000  }
0x18e: {  	_ =	swait.ge [sflag:s19], $0x1000  }
0x18f: {  	[sflag:s19] =	ssyncset.done $0x0  }
0x190: {  	[sflag:s19] =	ssyncadd.s32 $0xFFFFF000  }
0x191: {  	_ =	swait.ge [sflag:s19], $0x2000  }
0x192: {  	[sflag:s19] =	ssyncset.done $0x0  }
0x193: {  	[sflag:s19] =	ssyncadd.s32 $0xFFFFE000  }
0x194: {  	_ =	swait.ge [sflag:s20], $0x1000  }
0x195: {  	[sflag:s20] =	ssyncset.done $0x0  }
0x196: {  	[sflag:s20] =	ssyncadd.s32 $0xFFFFF000  }
0x197: {  	_ =	swait.ge [sflag:s20], $0x2000  }
0x198: {  	[sflag:s20] =	ssyncset.done $0x0  }
0x199: {  	[sflag:s20] =	ssyncadd.s32 $0xFFFFE000  }
0x19a: {  	_ =	swait.ge [sflag:s21], $0x1000  }
0x19b: {  	[sflag:s21] =	ssyncset.done $0x0  }
0x19c: {  	[sflag:s21] =	ssyncadd.s32 $0xFFFFF000  }
0x19d: {  	_ =	swait.ge [sflag:s21], $0x2000  }
0x19e: {  	s22 =	sadd.s32 $0x1, s22;
	s24 =	rddreg [dreg:$0x4]  }
0x19f: {  	p0 =	sne.s32 s22, s24  }
.Ltmp2:
0x1a0: {  	_ = 	snop;
	(pc) =	sbr.rel @p0 .LBB2_1-.Ltmp2, $4  }
0x1a1: {  	_ = 	snop  }
0x1a2: {  	[sflag:s21] =	ssyncset.done $0x0  }
0x1a3: {  	[sflag:s21] =	ssyncadd.s32 $0xFFFFE000  }
0x1a4: {  	_ =	strace $0x9000004A  }
0x1a5: {  	_ =	sfence.sel $0x180000  }
0x1a6: {  	[bflag:$0x0] =	sbarrier.arrive $0xFFFF  }
0x1a7: {  	_ =	strace $0x90000047  }
0x1a8: {  	s0 =	stileid.u32;
	[bflag:$0x2] =	sbarrier.arrive $0xFFFF  }
0x1a9: {  	p0 =	sne.s32 s0, $0x0;
	s0 =	rddreg [dreg:$0x2]  }
0x1aa: {  	s0 =	sadd.s32 @!p0 $0x100000, s0  }
0x1ab: {  	[sflag:s0] =	ssyncadd.tile.s32 @!p0 $0x1;
	_ =	shalt  }
.Lfunc_end2:
_tile_overlayer_lowered:
.L_overlay_start_2:
0x1ac: {  	(tag) =	ssettag $0x2  }
0x1ad: {  	s0 =	rddreg [dreg:$0x0];
	s2 =	stileid.u32  }
0x1ae: {  	s1 =	rddreg [dreg:$0x1];
	p0 =	sne.s32 s2, $0x0  }
0x1af: {  	s3 =	rddreg [dreg:$0x2];
	[bflag:$0x3] =	sbarrier.arrive $0xFFFF;
	s2 =	simm.s32 @!p0 $0x1C0A  }
0x1b0: {  	[timem:s3], [sflag:s2] =	dma.local @!p0 [hbm:s0], s1  }
0x1b1: {  	s0 =	simm.s32 @!p0 $0xA  }
0x1b2: {  	_ =	swait.ge @!p0 [sflag:s0], s1  }
0x1b3: {  	s1 =	ssub.s32 @!p0 $0x0, s1;
	[sflag:s0] =	ssyncset.done @!p0 $0x0  }
0x1b4: {  	[sflag:s0] =	ssyncadd.s32 @!p0 s1  }
0x1b5: {  	[bflag:$0x3] =	sbarrier.arrive $0xFFFF  }
0x1b6: {  	_ =	shalt  }

// kernel: sparse-core-data-format-call.cloned.1.call-start
scs
called_computation_lowered:
.L_overlay_start_0:
0x0: {  	s2 =	sld [smem:$0x3FD9]  }
0x1: {  	s3 =	sld [smem:$0x3FFE];
	_ =	sdelay $0x1  }
0x2: {  	s1 =	srdreg.scid  }
0x3: {  	s0 =	sand.u32 $0x1, s1  }
0x4: {  	s18 =	sshll.u32 s0, $0xA;
	s2 =	sadd.s32 s3, s2  }
0x5: {  	s2 =	sadd.s32 s2, s18  }
0x6: {  	[smem:$0x3FC2] =	sst s2  }
0x7: {  	_ = 	snop  }
0x8: {  	s2 =	sld [smem:$0x3FD0];
	(tm) =	ssettm $0x1  }
0x9: {  	s19 =	sld [smem:$0x3FFB];
	_ =	sdelay $0x3  }
0xa: {  	_ =	strace s19  }
0xb: {  	s3 =	sld [smem:$0x3FFC];
	_ =	sdelay $0x3  }
0xc: {  	_ =	strace s3  }
0xd: {  	s3 =	sld [smem:$0x3FFD];
	_ =	sdelay $0x3  }
0xe: {  	_ =	strace s3  }
0xf: {  	_ =	strace $0x8FFFFFFF  }
0x10: {  	s20 =	sld [smem:$0x3FDB];
	_ =	sdelay $0x1  }
0x11: {  	s4 =	simm.s32 $_scs_section_size  }
0x12: {  	s5 =	simm.s32 $_size__tile_overlayer_lowered;
	s6 =	simm.s32 $_tile_overlayer_lowered  }
0x13: {  	s23 =	simm.s32 $0x1BFF;
	s22 =	sshll.u32 s6, $0x1;
	s3 =	sadd.s32 s4, s20  }
0x14: {  	s7 =	simm.s32 $0x0;
	s21 =	sshll.u32 s5, $0x1;
	s5 =	sadd.s32 s22, s3  }
0x15: {  	[timem:s7], [sflag:s23] =	dma.local [hbm:s5], s21  }
0x16: {  	_ =	swait.ge [sflag:s23], s21  }
0x17: {  	s4 =	ssub.s32 $0x0, s21;
	[sflag:s23] =	ssyncset.done $0x0  }
0x18: {  	[sflag:s23] =	ssyncadd.s32 s4;
	_ =	sdelay $0x1  }
0x19: {  	s24 =	simm.s32 $0x1B8B  }
0x1a: {  	_ =	swait.ge [sflag:s24], $0x1  }
0x1b: {  	[sflag:s24] =	ssyncset.done $0x0  }
0x1c: {  	s26 =	simm.s32 $0x1B8E;
	s25 =	sld [smem:$0x3FFE];
	[sflag:s24] =	ssyncadd.s32 $0xFFFFFFFF  }
0x1d: {  	s27 =	simm.s32 $execute0_lowered;
	[smem:$0x3FD2] =	sst s26  }
0x1e: {  	s5 =	sshll.u32 s27, $0x1;
	_ =	strace $0x8000004C;
	[dreg:$0x1] =	wrdreg $0xFFFFFFFF  }
0x1f: {  	s28 =	simm.s32 $_size_execute0_lowered;
	s3 =	sadd.s32 s3, s5;
	[dreg:$0x0] =	wrdreg $0x0  }
0x20: {  	s5 =	sshll.u32 s28, $0x1;
	[dreg:$0x2] =	wrdreg s3  }
0x21: {  	[dreg:$0x3] =	wrdreg s5  }
0x22: {  	[dreg:$0x4] =	wrdreg $0xC0  }
0x23: {  	_ =	task [dreg:s7], $0x5FFFF  }
0x24: {  	[dreg:$0x1] =	wrdreg $0xFFFFFFFF  }
0x25: {  	[dreg:$0x0] =	wrdreg $0x60  }
0x26: {  	[dreg:$0x2] =	wrdreg s25  }
0x27: {  	[dreg:$0x3] =	wrdreg s2  }
0x28: {  	[dreg:$0x4] =	wrdreg $0x9  }
0x29: {  	_ =	task.clear_ibuf [dreg:s7], $0x5FFFF;
	_ =	strace $0x9000004C  }
0x2a: {  	s29 =	simm.s32 $0x9;
	_ =	strace $0x8000004E  }
0x2b: {  	_ =	swait.ge [sflag:s29], $0x1  }
0x2c: {  	[sflag:s29] =	ssyncadd.s32 $0xFFFFFFFF  }
0x2d: {  	_ =	strace $0x9000004E  }
0x2e: {  	_ =	sfence  }
0x2f: {  	s30 =	sld [smem:$0x0];
	_ =	sdelay $0x2  }
0x30: {  	s31 =	sshll.u32 s1, $0xD;
	s1 =	sshrl.u32 s1, $0x2  }
0x31: {  	s3 =	sand.u32 $0x4000, s31;
	s1 =	sadd.s32 s1, s30  }
0x32: {  	s0 =	sor.u32 s3, s0;
	s1 =	sshll.u32 s1, $0x11  }
0x33: {  	s0 =	sor.u32 s1, s0  }
0x34: {  	s0 =	sadd.s32 $0x8F2B, s0  }
0x35: {  	[sflag:s0] =	ssyncadd.remote.s32 $0x1  }
0x36: {  	_ =	sfence.sel $0xFFFF  }
0x37: {  	[dreg:$0x0] =	wrdreg $0xFFFFFFFF;
	(pc) =	sbr.abs _section_cstart, $3  }
0x38: {  	[dreg:$0x1] =	wrdreg $0xFFFFFFFF  }
0x39: {  	_ =	task.clear_ibuf [dreg:s7], $0x2FFFF;
	_ =	strace $0x9FFFFFFF  }
0x3a: {  	(tm) =	ssettm $0x7FFFFFFF  }
0x3b: {  	_ =	shalt  }
tec
execute0_lowered:
.L_overlay_start_1:
0x0: {  	(tag) =	ssettag $0x1  }
0x1: {  	s0 =	srdreg.scid  }
0x2: {  	s1 =	sshll.u32 s0, $0x4  }
0x3: {  	s6 =	rddreg [dreg:$0x0];
	s0 =	stileid.u32;
	s1 =	sand.u32 $0x10, s1  }
0x4: {  	s3 =	rddreg [dreg:$0x1];
	s1 =	sor.u32 s0, s1  }
0x5: {  	s5 =	simm.s32 $0x1;
	s31 =	simm.s32 $0x2;
	s2 =	sshll.u32 s1, $0x7  }
0x6: {  	s15 =	simm.s32 $0x0;
	s8 =	simm.s32 $0x8000;
	s4 =	ssub.s32 $0x1000, s2  }
0x7: {  	s14 =	simm.s32 $0x0;
	s9 =	simm.s32 $0x0;
	s30 =	sand.u32 $0xF80, s4  }
0x8: {  	s10 =	simm.s32 $0x0;
	s11 =	simm.s32 $0x0;
	p0 =	sne.s32 s30, $0x0  }
.Ltmp0:
0x9: {  	s7 =	sshrl.u32 s4, $0xC;
	s5 =	simm.s32 @!p0 $0x0;
	(pc) =	sbr.rel .LBB1_1-.Ltmp0, $4  }
0xa: {  	s13 =	simm.s32 $0x0;
	s1 =	rddreg [dreg:$0x2];
	s5 =	sadd.s32 s5, s7  }
0xb: {  	_ =	strace $0x8000004D;
	s4 =	simm.s32 $0x1;
	s5 =	smul.u32 $0xC8, s5  }
0xc: {  	s6 =	sadd.s32 $0xDD600, s6;
	s12 =	smov.u32 s2;
	[sflag:s4] =	ssyncpa.u1 $0x0  }
0xd: {  	[sflag:s31] =	ssyncpa.u1 $0x0;
	p0 =	por $0x0, $0x0;
	s7 =	sor.u32 $0x1, s5  }
.LBB1_4:
0xe: {  	s20 =	sshra.s32 s20, $0x2;
	s28 =	sshll.u32 s10, $0x3;
	p1 =	sgt.s32 s9, $0xC7  }
0xf: {  	s21 =	smov.u32 s9;
	s23 =	sshra.s32 s9, $0x1F;
	s24 =	smov.u32 s10  }
0x10: {  	v5 =	vld [tilespmem:s17+$0xFFFFFFD0];
	[tilespmem:s18+$0x2040 ss:$0x81] =	vst.msk $0xffff, v4;
	s25 =	sshra.s32 s10, $0x1F;
	s26 =	sand.u32 $0x78, s10;
	s19 =	sadd.s32 s20, s19  }
0x11: {  	v58 =	vld [tilespmem:s17+$0xFFFFFFE0];
	[tilespmem:s18+$0x2850 ss:$0x81] =	vst.msk $0xffff, v3;
	s22 =	sshrl.u32 s28, $0xC;
	s21 =	simm.s32 @!p1 $0xC7;
	s23 =	sand.u32 s23, s9  }
0x12: {  	v59 =	vld [tilespmem:s17+$0xFFFFFFF0];
	[tilespmem:s18+$0x3060 ss:$0x81] =	vst.msk $0xffff, v2;
	p1 =	sgt.s32 s10, $0xF80;
	s29 =	sand.u32 s25, s10;
	s20 =	sand.u32 $0xC00, s28  }
0x13: {  	v60 =	vld [tilespmem:s17+$0x0];
	[tilespmem:s18+$0x0 ss:$0x81] =	vst.msk $0xffff, v0;
	s28 =	smul.u32 $0xC000, s9;
	s21 =	ssub.s32 s21, s23;
	s24 =	simm.s32 @!p1 $0xF80  }
0x14: {  	v61 =	vld [tilespmem:s17+$0x10];
	s30 =	smulhi.u32 $0x2AAAAAB, s22;
	[tilespmem:s19+$0x3870 ss:$0x81] =	vst.msk $0xffff, v1;
	s20 =	sor.u32 s26, s20;
	s31 =	ssub.s32 $0xC8, s21  }
0x15: {  	v62 =	vld [tilespmem:s17+$0x20];
	s23 =	ssub.s32 s24, s29;
	s21 =	sadd.s32 $0xFFFFFF39, s21;
	s25 =	smul.u32 $0x60, s31;
	[tilespmem:s19+$0x810 ss:$0x81] =	vst.msk $0xffff, v5  }
0x16: {  	v63 =	vld [tilespmem:s17+$0xFFFFFFC0];
	s18 =	smul.u32 $0x60, s30;
	p1 =	sgt.s32 s21, $0x0;
	s27 =	sadd.s32 $0xFFFFF080, s23;
	[tilespmem:s19+$0x1020 ss:$0x81] =	vst.msk $0xffff, v58  }
0x17: {  	s17 =	ssub.s32 $0x1000, s23;
	[tilespmem:s19+$0x1830 ss:$0x81] =	vst.msk $0xffff, v59;
	s25 =	simm.s32 @p1 $0x0;
	p1 =	sgt.s32 s27, $0x7F  }
0x18: {  	s29 =	sand.u32 $0x7, s10;
	[tilespmem:s19+$0x2040 ss:$0x81] =	vst.msk $0xffff, v60;
	s18 =	ssub.s32 s22, s18;
	s17 =	simm.s32 @p1 $0x0  }
0x19: {  	s21 =	sadd.s32 s3, s28;
	[tilespmem:s19+$0x2850 ss:$0x81] =	vst.msk $0xffff, v61;
	s18 =	sshll.u32 s18, $0x9;
	s17 =	smul.u32 s17, s25  }
0x1a: {  	s20 =	sshrl.u32 s20, $0x3;
	s30 =	sshll.u32 s29, $0x12;
	[tilespmem:s19+$0x3060 ss:$0x81] =	vst.msk $0xffff, v62;
	s18 =	sadd.s32 s18, s21  }
0x1b: {  	[tilespmem:s19+$0x0 ss:$0x81] =	vst.msk $0xffff, v63;
	s31 =	sor.u32 $0x400, s30;
	s18 =	sadd.s32 s20, s18;
	s17 =	sand.u32 $0x3FFFFFE0, s17  }
0x1c: {  	[hbm4b:s18+s31] =	stream.strided.scatter [tilespmem:s16], [sflag:$0x2], s17, s8, s31, $0x20;
	[tilespmem:$0x10100] =	vst v63  }
.LBB1_5:
0x1d: {  	p1 =	slt.u32 s13, $0x2  }
0x1e: {  	s17 =	smov.u32 s15;
	p2 =	sgt.s32 @!p1 s15, $0xC7;
	s16 =	sshra.s32 @!p1 s15, $0x1F  }
0x1f: {  	p3 =	sgt.s32 @!p1 s14, $0xF80;
	s18 =	sshra.s32 @!p1 s14, $0x1F;
	p2 =	por !p2, p1  }
0x20: {  	s15 =	sand.u32 @!p1 s16, s15;
	p3 =	por !p3, p1;
	s16 =	smov.u32 s14  }
0x21: {  	s14 =	sand.u32 @!p1 s18, s14;
	s17 =	simm.s32 @p2 $0xC7;
	s16 =	simm.s32 @p3 $0xF80  }
0x22: {  	s18 =	smov.u32 s12;
	s15 =	ssub.s32 @!p1 s17, s15;
	s14 =	ssub.s32 @!p1 s16, s14  }
0x23: {  	s16 =	sadd.s32 @!p1 $0xFFFFFF39, s15;
	s15 =	ssub.s32 @!p1 $0xC8, s15;
	s17 =	sadd.s32 @!p1 $0xFFFFF080, s14  }
0x24: {  	p2 =	sgt.s32 @!p1 s16, $0x0;
	s15 =	smul.u32 @!p1 $0x60, s15;
	p3 =	sgt.s32 @!p1 s17, $0x7F  }
0x25: {  	s14 =	ssub.s32 @!p1 $0x1000, s14;
	p2 =	por !p2, p1;
	p3 =	por !p3, p1  }
0x26: {  	s16 =	sadd.s32 $0x1, s11;
	s15 =	simm.s32 @!p2 $0x0;
	s14 =	simm.s32 @!p3 $0x0  }
0x27: {  	p2 =	sgt.s32 s16, $0xC7;
	s14 =	smul.u32 @!p1 s14, s15;
	s15 =	sadd.s32 $0x1000, s12  }
0x28: {  	s18 =	smov.u32 @p2 s15  }
0x29: {  	s16 =	simm.s32 @p2 $0x0;
	p2 =	sgt.s32 s18, $0xFFF  }
0x2a: {  	s18 =	smov.u32 @p2 s2;
	p2 =	sne.s32 s13, s7  }
.Ltmp1:
0x2b: {  	p0 =	por !p0, !p0;
	s17 =	simm.s32 @!p1 $0x2;
	(pc) =	sbr.rel @!p2 .LBB1_6-.Ltmp1, $4  }
0x2c: {  	s15 =	smov.u32 s9;
	s9 =	smov.u32 s11;
	s14 =	sand.u32 @!p1 $0x3FFFFFE0, s14  }
0x2d: {  	s11 =	smov.u32 s16;
	_ =	swait.ge @!p1 [sflag:s17], s14;
	s19 =	ssub.s32 @!p1 $0x0, s14  }
0x2e: {  	s14 =	smov.u32 s10;
	s13 =	sadd.s32 $0x1, s13;
	[sflag:s17] =	ssyncset.done @!p1 $0x0  }
0x2f: {  	s10 =	smov.u32 s12;
	s12 =	smov.u32 s18;
	[sflag:s17] =	ssyncadd.s32 @!p1 s19  }
.LBB1_1:
0x30: {  	p1 =	sge.u32 s13, s5  }
0x31: {  	s16 =	sand.u32 @!p1 $0x1FFFFFF, s11  }
0x32: {  	s17 =	smulhi.u32 @!p1 $0x147AE15, s16;
	_ =	sdelay $0x1  }
0x33: {  	s17 =	smul.u32 @!p1 $0xC8, s17  }
0x34: {  	s18 =	sxor.u32 @!p1 $0xFFFFFFFF, s13;
	s19 =	smul.u32 @!p1 $0xC80, s12  }
0x35: {  	s31 =	sadd.s32 $0xFFFFFFFF, s13;
	s18 =	sshll.u32 @!p1 s18, $0xE;
	s16 =	ssub.s32 @!p1 s16, s17  }
0x36: {  	s17 =	sand.u32 @!p1 $0x4000, s18;
	s18 =	sadd.s32 @!p1 s6, s19;
	s16 =	sshll.u32 @!p1 s16, $0x4  }
0x37: {  	s19 =	simm.s32 @!p1 $0x6400;
	s16 =	sadd.s32 @!p1 s16, s18;
	s18 =	simm.s32 @!p1 $0x80  }
0x38: {  	[tilespmem:s17], [sflag:$0x1] =	stream.strided.gather @!p1 [hbm4b:s16+s18], $0x4000, s19, s18, $0x38;
	[tilespmem:$0x10100] =	vst v63  }
0x39: {  	p1 =	sge.u32 s31, s5  }
.Ltmp2:
0x3a: {  	_ = 	snop;
	(pc) =	sbr.rel @p1 .LBB1_5-.Ltmp2, $1  }
0x3b: {  	_ =	sdelay $0x3  }
0x3c: {  	s16 =	simm.s32 $0x1  }
0x3d: {  	_ =	swait.ge [sflag:s4], $0x4000;
	s16 =	simm.s32 @!p0 $0x0  }
0x3e: {  	[sflag:s4] =	ssyncset.done $0x0;
	s17 =	sshll.u32 s16, $0xE  }
0x3f: {  	[sflag:s4] =	ssyncadd.s32 $0xFFFFC000;
	s17 =	sor.u32 $0x40, s17  }
0x40: {  	s16 =	smul.u32 $0x10200, s16;
	v0 =	vld [tilespmem:s17+$0x30]  }
0x41: {  	v1 =	vld [tilespmem:s17+$0xFFFFFFD0]  }
0x42: {  	s16 =	sshrl.u32 s16, $0x2;
	v5 =	vld [tilespmem:s17+$0xFFFFFFE0]  }
0x43: {  	v6 =	vld [tilespmem:s17+$0xFFFFFFF0];
	s19 =	sor.u32 $0x8000, s16  }
0x44: {  	s31 =	sand.u32 $0x1, s13;
	v4 =	vld [tilespmem:s17+$0x0];
	s18 =	sadd.s32 $0x0, s19  }
0x45: {  	v3 =	vld [tilespmem:s17+$0x10];
	s16 =	smul.u32 $0x10200, s31;
	[tilespmem:s18+$0x3870 ss:$0x81] =	vst.msk $0xffff, v0  }
0x46: {  	v2 =	vld [tilespmem:s17+$0x20];
	[tilespmem:s18+$0x810 ss:$0x81] =	vst.msk $0xffff, v1  }
0x47: {  	s16 =	sshrl.u32 s16, $0x2;
	v0 =	vld [tilespmem:s17+$0xFFFFFFC0];
	[tilespmem:s18+$0x1020 ss:$0x81] =	vst.msk $0xffff, v5;
	s17 =	sadd.s32 $0x80, s17  }
0x48: {  	s20 =	simm.s32 $0x4;
	s21 =	simm.s32 $0x8;
	s16 =	sor.u32 $0x8000, s16;
	[tilespmem:s18+$0x1830 ss:$0x81] =	vst.msk $0xffff, v6;
	v1 =	vld [tilespmem:s17+$0x30]  }
.LBB1_3:
0x49: {  	p1 =	sne.s32 s21, $0x1FC;
	v5 =	vld [tilespmem:s17+$0xFFFFFFD0];
	[tilespmem:s18+$0x2040 ss:$0x81] =	vst.msk $0xffff, v4  }
0x4a: {  	v6 =	vld [tilespmem:s17+$0xFFFFFFE0];
	[tilespmem:s18+$0x2850 ss:$0x81] =	vst.msk $0xffff, v3  }
0x4b: {  	s22 =	sshra.s32 s20, $0x2;
	s20 =	smov.u32 s21;
	v7 =	vld [tilespmem:s17+$0xFFFFFFF0];
	[tilespmem:s18+$0x3060 ss:$0x81] =	vst.msk $0xffff, v2  }
.Ltmp3:
0x4c: {  	v4 =	vld [tilespmem:s17+$0x0];
	[tilespmem:s18+$0x0 ss:$0x81] =	vst.msk $0xffff, v0;
	s18 =	sadd.s32 s22, s19;
	(pc) =	sbr.rel @p1 .LBB1_3-.Ltmp3, $4  }
0x4d: {  	v3 =	vld [tilespmem:s17+$0x10];
	[tilespmem:s18+$0x3870 ss:$0x81] =	vst.msk $0xffff, v1  }
0x4e: {  	[tilespmem:s18+$0x810 ss:$0x81] =	vst.msk $0xffff, v5;
	v2 =	vld [tilespmem:s17+$0x20]  }
0x4f: {  	v0 =	vld [tilespmem:s17+$0xFFFFFFC0];
	[tilespmem:s18+$0x1020 ss:$0x81] =	vst.msk $0xffff, v6;
	s17 =	sadd.s32 $0x80, s17  }
0x50: {  	s21 =	sadd.s32 $0x4, s21;
	v1 =	vld [tilespmem:s17+$0x30];
	[tilespmem:s18+$0x1830 ss:$0x81] =	vst.msk $0xffff, v7  }
.Ltmp4:
0x51: {  	_ = 	snop;
	(pc) =	sbr.rel .LBB1_4-.Ltmp4, $1  }
0x52: {  	_ =	sdelay $0x3  }
.LBB1_6:
0x53: {  	_ =	sfence.sel $0x180000  }
0x54: {  	s2 =	simm.s32 $0x1;
	[bflag:$0x0] =	sbarrier.arrive $0xFFFF  }
0x55: {  	s31 =	simm.s32 $0x2;
	[sflag:s2] =	ssyncpa.u1 $0x1  }
0x56: {  	[sflag:s31] =	ssyncpa.u1 $0x1  }
0x57: {  	p0 =	sne.s32 s0, $0x0;
	_ =	strace $0x9000004D  }
0x58: {  	s0 =	sadd.s32 @!p0 $0x100000, s1;
	[bflag:$0x2] =	sbarrier.arrive $0xFFFF  }
0x59: {  	[sflag:s0] =	ssyncadd.tile.s32 @!p0 $0x1;
	_ =	shalt  }
.Lfunc_end1:
_tile_overlayer_lowered:
.L_overlay_start_2:
0x5a: {  	(tag) =	ssettag $0x2  }
0x5b: {  	s0 =	rddreg [dreg:$0x0];
	s2 =	stileid.u32  }
0x5c: {  	s1 =	rddreg [dreg:$0x1];
	p0 =	sne.s32 s2, $0x0  }
0x5d: {  	s3 =	rddreg [dreg:$0x2];
	[bflag:$0x3] =	sbarrier.arrive $0xFFFF;
	s2 =	simm.s32 @!p0 $0x1C01  }
0x5e: {  	[timem:s3], [sflag:s2] =	dma.local @!p0 [hbm:s0], s1  }
0x5f: {  	s0 =	simm.s32 @!p0 $0x1  }
0x60: {  	_ =	swait.ge @!p0 [sflag:s0], s1  }
0x61: {  	s1 =	ssub.s32 @!p0 $0x0, s1;
	[sflag:s0] =	ssyncset.done @!p0 $0x0  }
0x62: {  	[sflag:s0] =	ssyncadd.s32 @!p0 s1  }
0x63: {  	[bflag:$0x3] =	sbarrier.arrive $0xFFFF  }
0x64: {  	_ =	shalt  }

</sc_bundles>
